<compile_context>
chip_gen: v7x
topology: tpu7x:2x2x1
jax: 0.10.2.dev20260603
libtpu: 0.0.44.dev20260713+nightly
codegen_flags: <defaults>
</compile_context>

<pallas_src>
import functools

import jax
import jax.numpy as jnp
from jax import lax
from jax.experimental import pallas as pl
from jax.experimental.pallas import tpu as pltpu
from jax.experimental.pallas import tpu_sc as plsc

N = 10000
E = 160000
D = 256
H = 128
NC, NS = 2, 16
NPAD = 10240
EB = 80
ERows = E // EB
RPT = ERows // NS
CH = 5
NCH = RPT // CH
RB = 2000
NBLK = N // RB
EPS_BN = 1e-5

_sc_mesh = plsc.VectorSubcoreMesh(core_axis_name="c", subcore_axis_name="s")


@functools.partial(
    pl.kernel,
    out_type=jax.ShapeDtypeStruct((NPAD,), jnp.float32),
    mesh=_sc_mesh,
    scratch_types=[
        pltpu.VMEM((NCH, CH, EB), jnp.int32),
        pltpu.VMEM((EB,), jnp.float32),
        pltpu.VMEM((640,), jnp.float32),
        pltpu.VMEM_SHARED((NPAD,), jnp.float32),
        pltpu.SemaphoreType.DMA,
    ],
)
def _deg_kernel(e4_hbm, out_hbm, idx_v, ones_v, zeros_v, deg_sh, sem):
    c = lax.axis_index("c")
    s = lax.axis_index("s")

    def fill_ones(i, carry):
        ones_v[pl.ds(i * 16, 16)] = jnp.full((16,), 1.0, jnp.float32)
        return carry

    lax.fori_loop(0, EB // 16, fill_ones, 0)

    def fill_zeros(i, carry):
        zeros_v[pl.ds(i * 16, 16)] = jnp.zeros((16,), jnp.float32)
        return carry

    lax.fori_loop(0, 640 // 16, fill_zeros, 0)
    pltpu.sync_copy(zeros_v, deg_sh.at[pl.ds(s * 640, 640)])
    plsc.subcore_barrier()

    pltpu.sync_copy(e4_hbm.at[1, pl.ds(s * NCH, NCH)], idx_v)

    def scat(b, carry):
        pltpu.async_copy(ones_v, deg_sh.at[idx_v.at[b // CH, b % CH]],
                         sem, add=True)
        return carry

    lax.fori_loop(0, RPT, scat, 0)

    def drain(b, carry):
        pltpu.make_async_copy(ones_v, deg_sh.at[pl.ds(0, EB)], sem).wait()
        return carry

    lax.fori_loop(0, RPT, drain, 0)
    plsc.subcore_barrier()

    @pl.when(c == 0)
    def _():
        pltpu.sync_copy(deg_sh.at[pl.ds(s * 640, 640)],
                        out_hbm.at[pl.ds(s * 640, 640)])


@functools.partial(
    pl.kernel,
    out_type=jax.ShapeDtypeStruct((NC, NPAD, H), jnp.float32),
    mesh=_sc_mesh,
    scratch_types=[
        pltpu.VMEM((2, CH, EB), jnp.int32),
        pltpu.VMEM((2, CH, EB), jnp.int32),
        pltpu.VMEM((3, EB, H), jnp.float32),
        pltpu.VMEM_SHARED((NPAD, H), jnp.float32),
        pltpu.SemaphoreType.DMA,
        pltpu.SemaphoreType.DMA,
        pltpu.SemaphoreType.DMA,
    ],
)
def _agg_kernel(e4_hbm, xt2_hbm, out_hbm,
                sidx_v, didx_v, rows_v, acc_sh, gsem, ssem, isem):
    c = lax.axis_index("c")
    s = lax.axis_index("s")

    nz = jnp.where(s == NS - 1, (N - (NS - 1) * 640) // EB, 640 // EB)

    def init_acc(j, carry):
        pltpu.async_copy(xt2_hbm.at[pl.ds(c * N + s * 640 + j * EB, EB)],
                         acc_sh.at[pl.ds(s * 640 + j * EB, EB)], isem)
        return carry

    lax.fori_loop(0, nz, init_acc, 0)

    def drain_gather(par):
        pltpu.make_async_copy(xt2_hbm.at[pl.ds(0, EB)], rows_v.at[par],
                              gsem).wait()

    def drain_scatter():
        pltpu.make_async_copy(rows_v.at[0], acc_sh.at[pl.ds(0, EB)],
                              ssem).wait()

    def transform(buf, carry):
        def scale_idx(i, carry2):
            r = i // (EB // 16)
            l = i % (EB // 16)
            v = sidx_v[buf, r, pl.ds(l * 16, 16)]
            sidx_v[buf, r, pl.ds(l * 16, 16)] = v + c * N
            return carry2

        return lax.fori_loop(0, CH * (EB // 16), scale_idx, carry)

    pltpu.sync_copy(e4_hbm.at[0, s * NCH], sidx_v.at[0])
    pltpu.sync_copy(e4_hbm.at[1, s * NCH], didx_v.at[0])
    transform(0, 0)
    pltpu.async_copy(xt2_hbm.at[sidx_v.at[0, 0]], rows_v.at[0], gsem)
    pltpu.async_copy(xt2_hbm.at[sidx_v.at[0, 1]], rows_v.at[1], gsem)

    def init_drain(j, carry):
        pltpu.make_async_copy(xt2_hbm.at[pl.ds(0, EB)],
                              acc_sh.at[pl.ds(0, EB)], isem).wait()
        return carry

    lax.fori_loop(0, nz, init_drain, 0)
    plsc.subcore_barrier()

    def batch(b, carry):
        ch = b // CH
        r = b - ch * CH
        cur = lax.rem(ch, 2)
        nxt = 1 - cur

        @pl.when((r == 2) & (ch + 1 < NCH))
        def _():
            pltpu.async_copy(e4_hbm.at[0, s * NCH + ch + 1],
                             sidx_v.at[nxt], isem)
            pltpu.async_copy(e4_hbm.at[1, s * NCH + ch + 1],
                             didx_v.at[nxt], isem)

        @pl.when((r == 3) & (ch + 1 < NCH))
        def _():
            pltpu.make_async_copy(e4_hbm.at[0, 0], sidx_v.at[0], isem).wait()
            pltpu.make_async_copy(e4_hbm.at[0, 0], didx_v.at[0], isem).wait()
            transform(nxt, 0)

        @pl.when(b + 2 < RPT)
        def _():
            @pl.when(b >= 1)
            def _():
                drain_scatter()
            g = b + 2
            gch = g // CH
            pltpu.async_copy(
                xt2_hbm.at[sidx_v.at[lax.rem(gch, 2), g - gch * CH]],
                rows_v.at[lax.rem(g, 3)], gsem)

        drain_gather(lax.rem(b, 3))
        pltpu.async_copy(rows_v.at[lax.rem(b, 3)], acc_sh.at[didx_v.at[cur, r]],
                         ssem, add=True)
        return carry

    lax.fori_loop(0, RPT, batch, 0)
    drain_scatter()
    drain_scatter()
    drain_scatter()
    plsc.subcore_barrier()
    pltpu.sync_copy(acc_sh.at[pl.ds(s * 640, 640)],
                    out_hbm.at[c, pl.ds(s * 640, 640)])


def _prep_body(degc_ref, x_ref, xt_ref, dis_ref):
    dis = lax.rsqrt(degc_ref[...] + 1.0)
    xt_ref[...] = x_ref[...] * dis
    dis_ref[...] = dis


def _prep(degc, x):
    return pl.pallas_call(
        _prep_body,
        grid=(2,),
        in_specs=[
            pl.BlockSpec((N, 1), lambda j: (0, 0)),
            pl.BlockSpec((N, H), lambda j: (0, j)),
        ],
        out_specs=[
            pl.BlockSpec((N, H), lambda j: (j, 0)),
            pl.BlockSpec((N, 1), lambda j: (0, 0)),
        ],
        out_shape=[
            jax.ShapeDtypeStruct((2 * N, H), jnp.float32),
            jax.ShapeDtypeStruct((N, 1), jnp.float32),
        ],
    )(degc, x)


def _mmbn_body(al_ref, ar_ref, dis_ref, w_ref, g_ref, b_ref,
               o_ref, p_scr, s1_scr, s2_scr):
    ph = pl.program_id(0)
    i = pl.program_id(1)

    @pl.when(ph == 0)
    def _():
        a = jnp.concatenate([al_ref[0], ar_ref[0]], axis=1)
        bm = a * dis_ref[...]
        p = jnp.dot(bm, w_ref[...], preferred_element_type=jnp.float32)
        p_scr[pl.ds(i * RB, RB), :] = p
        s1 = jnp.sum(p, axis=0, keepdims=True)
        s2 = jnp.sum(p * p, axis=0, keepdims=True)

        @pl.when(i == 0)
        def _():
            s1_scr[...] = s1
            s2_scr[...] = s2

        @pl.when(i != 0)
        def _():
            s1_scr[...] += s1
            s2_scr[...] += s2

    @pl.when(ph == 1)
    def _():
        mean = s1_scr[...] * (1.0 / N)
        var = s2_scr[...] * (1.0 / N) - mean * mean
        scale = g_ref[...] * lax.rsqrt(var + EPS_BN)
        shift = b_ref[...] - mean * scale
        p = p_scr[pl.ds(i * RB, RB), :]
        o_ref[...] = jnp.maximum(p * scale + shift, 0.0)


def _mmbn(afull, dis2, w, gamma, beta):
    def only0(f):
        return lambda ph, i: f(jnp.where(ph == 0, i, NBLK - 1))

    return pl.pallas_call(
        _mmbn_body,
        grid=(2, NBLK),
        in_specs=[
            pl.BlockSpec((1, RB, H), only0(lambda i: (0, i, 0))),
            pl.BlockSpec((1, RB, H), only0(lambda i: (1, i, 0))),
            pl.BlockSpec((RB, 1), only0(lambda i: (i, 0))),
            pl.BlockSpec((D, D), lambda ph, i: (0, 0)),
            pl.BlockSpec((1, D), lambda ph, i: (0, 0)),
            pl.BlockSpec((1, D), lambda ph, i: (0, 0)),
        ],
        out_specs=pl.BlockSpec(
            (RB, D), lambda ph, i: (jnp.where(ph == 0, 0, i), 0)),
        out_shape=jax.ShapeDtypeStruct((N, D), jnp.float32),
        scratch_shapes=[
            pltpu.VMEM((N, D), jnp.float32),
            pltpu.VMEM((1, D), jnp.float32),
            pltpu.VMEM((1, D), jnp.float32),
        ],
    )(afull, afull, dis2, w, gamma, beta)


def kernel(x, edge_index, W, bn_gamma, bn_beta):
    e4 = edge_index.astype(jnp.int32).reshape(2, NS * NCH, CH, EB)

    degc = _deg_kernel(e4).reshape(NPAD, 1)
    xt2, dis2 = _prep(degc, x)
    afull = _agg_kernel(e4, xt2)
    return _mmbn(afull, dis2, W,
                 bn_gamma.reshape(1, D), bn_beta.reshape(1, D))

# --- scband reference (transcript-rebuilt; emitter-appended) ---
"""Pipeline reference for scband-general-layer-16604343566544 (READ-ONLY COPY).

The authoritative reference and input builder live on the scoring server;
editing this copy changes nothing except your own understanding.
"""

import jax, jax.numpy as jnp
import numpy as np

N_NODES = 10000
N_EDGES = 160000
DIM_IN = 256
DIM_OUT = 256
BN_EPS = 1e-5


def setup_inputs(seed: int = 0) -> dict:
    key = jax.random.key(seed)
    k1, k2, k3 = jax.random.split(key, 3)
    x = jax.random.normal(k1, (N_NODES, DIM_IN), dtype=jnp.float32)
    edge_index = jax.random.randint(k2, (2, N_EDGES), 0, N_NODES, dtype=jnp.int64)
    # GCNConv linear weight (glorot), no bias (bias = not has_bn = False)
    limit = float(np.sqrt(6.0 / (DIM_IN + DIM_OUT)))
    W = jax.random.uniform(k3, (DIM_IN, DIM_OUT), dtype=jnp.float32, minval=-limit, maxval=limit)
    # BatchNorm1d affine params
    bn_gamma = jnp.ones((DIM_OUT,), dtype=jnp.float32)
    bn_beta = jnp.zeros((DIM_OUT,), dtype=jnp.float32)
    return {"x": x, "edge_index": edge_index, "W": W, "bn_gamma": bn_gamma, "bn_beta": bn_beta}


def _gcn_layer(x, edge_index, W):
    N = x.shape[0]
    self_loops = jnp.arange(N, dtype=edge_index.dtype)
    src = jnp.concatenate([edge_index[0], self_loops])
    dst = jnp.concatenate([edge_index[1], self_loops])
    # symmetric normalization with self-loops (PyG GCNConv default)
    deg = jnp.zeros((N,), dtype=x.dtype).at[dst].add(1.0)
    deg_inv_sqrt = jnp.where(deg > 0, jax.lax.rsqrt(deg), 0.0)
    norm = deg_inv_sqrt[src] * deg_inv_sqrt[dst]
    h = x @ W
    msg = h[src] * norm[:, None]
    out = jax.ops.segment_sum(msg, dst, num_segments=N)
    return out


def reference(x, edge_index, W, bn_gamma, bn_beta):
    # GeneralLayer: gcnconv -> BatchNorm1d (training-mode batch stats) -> ReLU
    out = _gcn_layer(x, edge_index, W)
    mean = jnp.mean(out, axis=0)
    var = jnp.var(out, axis=0)
    out = (out - mean) * jax.lax.rsqrt(var + BN_EPS) * bn_gamma + bn_beta
    out = jax.nn.relu(out)
    return out

if __name__ == "__main__":
    import jax
    _d = setup_inputs()
    print(jax.jit(kernel)(*tuple(_d.values())))

</pallas_src>

<mosaic_0001>
#map = affine_map<(d0, d1) -> (0, 0, 0, 0)>
#map1 = affine_map<(d0, d1) -> (0)>
module attributes {stable_mosaic.version = 14 : i64} {
  func.func @_deg_kernel(%arg0: i32, %arg1: i32, %arg2: memref<2x400x5x80xi32, #tpu.memory_space<hbm>>, %arg3: memref<10240xf32, #tpu.memory_space<hbm>>, %arg4: memref<25x5x80xi32, #tpu.memory_space<vmem>>, %arg5: memref<80xf32, #tpu.memory_space<vmem>>, %arg6: memref<640xf32, #tpu.memory_space<vmem>>, %arg7: memref<10240xf32, #tpu.memory_space<vmem_shared>>, %arg8: memref<!tpu.dma_semaphore, #tpu.memory_space<semaphore_mem>>) attributes {dimension_semantics = [#tpu.dimension_semantics<core_parallel>, #tpu.dimension_semantics<subcore_parallel>], iteration_bounds = array<i64: 2, 16>, scalar_prefetch = 0 : i64, scratch_operands = 5 : i64, tpu.core_type = #tpu.core_type<sc_vector_subcore>, window_params = [{transform_indices = #map}, {transform_indices = #map1}]} {
    %scan3A = arith.constant 0 : i32
    %scan3A_0 = arith.constant 0 : i32
    %scan3A_1 = arith.constant 5 : i32
    %scan3A_2 = arith.addi %scan3A_0, %scan3A_1 : i32
    %scan3A_3 = arith.constant 1 : i32
    scf.for %scan3A_29 = %scan3A_0 to %scan3A_2 step %scan3A_3  : i32 {
      %broadcast_in_dim3A = arith.constant 1.000000e+00 : f32
      %broadcast_in_dim3A_30 = vector.broadcast %broadcast_in_dim3A : f32 to vector<16xf32>
      %mul3A_31 = arith.constant 16 : i32
      %mul3A_32 = arith.muli %scan3A_29, %mul3A_31 : i32
      %swap3A = arith.index_cast %mul3A_32 : i32 to index
      %swap3A_33 = tpu.vector_load %arg5[%swap3A] {strides = array<i32>} : memref<80xf32, #tpu.memory_space<vmem>>, vector<16xf32>,
      %swap3A_34 = vector.shape_cast %swap3A_33 : vector<16xf32> to vector<16xf32>
      %swap3A_35 = vector.shape_cast %broadcast_in_dim3A_30 : vector<16xf32> to vector<16xf32>
      tpu.vector_store %arg5[%swap3A], %swap3A_35 {strides = array<i32>} : memref<80xf32, #tpu.memory_space<vmem>>, vector<16xf32>,
    }
    %scan3A_4 = arith.constant 5 : i32
    %scan3A_5 = arith.constant 0 : i32
    %scan3A_6 = arith.constant 0 : i32
    %scan3A_7 = arith.constant 40 : i32
    %scan3A_8 = arith.addi %scan3A_6, %scan3A_7 : i32
    %scan3A_9 = arith.constant 1 : i32
    scf.for %scan3A_29 = %scan3A_6 to %scan3A_8 step %scan3A_9  : i32 {
      %broadcast_in_dim3A = arith.constant 0.000000e+00 : f32
      %broadcast_in_dim3A_30 = vector.broadcast %broadcast_in_dim3A : f32 to vector<16xf32>
      %mul3A_31 = arith.constant 16 : i32
      %mul3A_32 = arith.muli %scan3A_29, %mul3A_31 : i32
      %swap3A = arith.index_cast %mul3A_32 : i32 to index
      %swap3A_33 = tpu.vector_load %arg6[%swap3A] {strides = array<i32>} : memref<640xf32, #tpu.memory_space<vmem>>, vector<16xf32>,
      %swap3A_34 = vector.shape_cast %swap3A_33 : vector<16xf32> to vector<16xf32>
      %swap3A_35 = vector.shape_cast %broadcast_in_dim3A_30 : vector<16xf32> to vector<16xf32>
      tpu.vector_store %arg6[%swap3A], %swap3A_35 {strides = array<i32>} : memref<640xf32, #tpu.memory_space<vmem>>, vector<16xf32>,
    }
    %scan3A_10 = arith.constant 40 : i32
    %mul3A = arith.constant 640 : i32
    %mul3A_11 = arith.muli %arg1, %mul3A : i32
    "tpu.region"() ({
      %run_scoped3A_29 = tpu.sem_alloc : memref<!tpu.dma_semaphore, #tpu.memory_space<semaphore_mem>>
      %dma_start3A = tpu.memref_slice %arg7[%mul3A_11] : memref<10240xf32, #tpu.memory_space<vmem_shared>> -> memref<640xf32, #tpu.memory_space<vmem_shared>>
      %dma_start3A_30 = tpu.memref_slice %arg7[%mul3A_11] : memref<10240xf32, #tpu.memory_space<vmem_shared>> -> memref<640xf32, #tpu.memory_space<vmem_shared>>
      tpu.enqueue_dma source(%arg6 : memref<640xf32, #tpu.memory_space<vmem>>) target(%dma_start3A_30 : memref<640xf32, #tpu.memory_space<vmem_shared>>) target_semaphore(%run_scoped3A_29 : memref<!tpu.dma_semaphore, #tpu.memory_space<semaphore_mem>>)
      %dma_wait3A = tpu.memref_slice %arg7[%mul3A_11] : memref<10240xf32, #tpu.memory_space<vmem_shared>> -> memref<640xf32, #tpu.memory_space<vmem_shared>>
      %dma_wait3A_31 = tpu.memref_slice %arg7[%mul3A_11] : memref<10240xf32, #tpu.memory_space<vmem_shared>> -> memref<640xf32, #tpu.memory_space<vmem_shared>>
      tpu.wait_dma2 semaphore(%run_scoped3A_29 : memref<!tpu.dma_semaphore, #tpu.memory_space<semaphore_mem>>) src(%arg6 : memref<640xf32, #tpu.memory_space<vmem>>) dst(%dma_wait3A_31 : memref<640xf32, #tpu.memory_space<vmem_shared>>)
      tpu.yield
    }) : () -> ()
    %barrier3A = arith.constant 0 : index
    tpu.barrier barrier_id(%barrier3A)
    %mul3A_12 = arith.constant 25 : i32
    %mul3A_13 = arith.muli %arg1, %mul3A_12 : i32
    %run_scoped3A = arith.constant 1 : i32
    "tpu.region"() ({
      %run_scoped3A_29 = tpu.sem_alloc : memref<!tpu.dma_semaphore, #tpu.memory_space<semaphore_mem>>
      %dma_start3A = arith.constant 0 : i32
      %dma_start3A_30 = arith.constant 0 : i32
      %dma_start3A_31 = tpu.memref_slice %arg2[%run_scoped3A, %mul3A_13, %dma_start3A, %dma_start3A_30] : memref<2x400x5x80xi32, #tpu.memory_space<hbm>> -> memref<1x25x5x80xi32, #tpu.memory_space<hbm>>
      %dma_start3A_32 = tpu.memref_squeeze %dma_start3A_31 : memref<1x25x5x80xi32, #tpu.memory_space<hbm>> -> memref<25x5x80xi32, #tpu.memory_space<hbm>>
      %dma_start3A_33 = arith.constant 0 : i32
      %dma_start3A_34 = arith.constant 0 : i32
      %dma_start3A_35 = tpu.memref_slice %arg2[%run_scoped3A, %mul3A_13, %dma_start3A_33, %dma_start3A_34] : memref<2x400x5x80xi32, #tpu.memory_space<hbm>> -> memref<1x25x5x80xi32, #tpu.memory_space<hbm>>
      %dma_start3A_36 = tpu.memref_squeeze %dma_start3A_35 : memref<1x25x5x80xi32, #tpu.memory_space<hbm>> -> memref<25x5x80xi32, #tpu.memory_space<hbm>>
      tpu.enqueue_dma source(%dma_start3A_36 : memref<25x5x80xi32, #tpu.memory_space<hbm>>) target(%arg4 : memref<25x5x80xi32, #tpu.memory_space<vmem>>) target_semaphore(%run_scoped3A_29 : memref<!tpu.dma_semaphore, #tpu.memory_space<semaphore_mem>>)
      %dma_wait3A = arith.constant 0 : i32
      %dma_wait3A_37 = arith.constant 0 : i32
      %dma_wait3A_38 = tpu.memref_slice %arg2[%run_scoped3A, %mul3A_13, %dma_wait3A, %dma_wait3A_37] : memref<2x400x5x80xi32, #tpu.memory_space<hbm>> -> memref<1x25x5x80xi32, #tpu.memory_space<hbm>>
      %dma_wait3A_39 = tpu.memref_squeeze %dma_wait3A_38 : memref<1x25x5x80xi32, #tpu.memory_space<hbm>> -> memref<25x5x80xi32, #tpu.memory_space<hbm>>
      %dma_wait3A_40 = arith.constant 0 : i32
      %dma_wait3A_41 = arith.constant 0 : i32
      %dma_wait3A_42 = tpu.memref_slice %arg2[%run_scoped3A, %mul3A_13, %dma_wait3A_40, %dma_wait3A_41] : memref<2x400x5x80xi32, #tpu.memory_space<hbm>> -> memref<1x25x5x80xi32, #tpu.memory_space<hbm>>
      %dma_wait3A_43 = tpu.memref_squeeze %dma_wait3A_42 : memref<1x25x5x80xi32, #tpu.memory_space<hbm>> -> memref<25x5x80xi32, #tpu.memory_space<hbm>>
      tpu.wait_dma2 semaphore(%run_scoped3A_29 : memref<!tpu.dma_semaphore, #tpu.memory_space<semaphore_mem>>) src(%dma_wait3A_43 : memref<25x5x80xi32, #tpu.memory_space<hbm>>) dst(%arg4 : memref<25x5x80xi32, #tpu.memory_space<vmem>>)
      tpu.yield
    }) : () -> ()
    %scan3A_14 = arith.constant 0 : i32
    %scan3A_15 = arith.constant 0 : i32
    %scan3A_16 = arith.constant 125 : i32
    %scan3A_17 = arith.addi %scan3A_15, %scan3A_16 : i32
    %scan3A_18 = arith.constant 1 : i32
    scf.for %scan3A_29 = %scan3A_15 to %scan3A_17 step %scan3A_18  : i32 {
      %jit3A = arith.constant 5 : i32
      %div3A = arith.divsi %scan3A_29, %jit3A : i32
      %sign3A = arith.constant 0 : i32
      %sign3A_30 = arith.cmpi sgt, %scan3A_29, %sign3A : i32
      %sign3A_31 = arith.extui %sign3A_30 : i1 to i32
      %sign3A_32 = arith.constant 0 : i32
      %sign3A_33 = arith.cmpi slt, %scan3A_29, %sign3A_32 : i32
      %sign3A_34 = arith.extui %sign3A_33 : i1 to i32
      %sign3A_35 = arith.subi %sign3A_31, %sign3A_34 : i32
      %sign3A_36 = arith.constant 0 : i32
      %sign3A_37 = arith.cmpi sgt, %jit3A, %sign3A_36 : i32
      %sign3A_38 = arith.extui %sign3A_37 : i1 to i32
      %sign3A_39 = arith.constant 0 : i32
      %sign3A_40 = arith.cmpi slt, %jit3A, %sign3A_39 : i32
      %sign3A_41 = arith.extui %sign3A_40 : i1 to i32
      %sign3A_42 = arith.subi %sign3A_38, %sign3A_41 : i32
      %ne3A = arith.cmpi ne, %sign3A_35, %sign3A_42 : i32
      %rem3A = arith.remsi %scan3A_29, %jit3A : i32
      %ne3A_43 = arith.constant 0 : i32
      %ne3A_44 = arith.cmpi ne, %rem3A, %ne3A_43 : i32
      %and3A = arith.andi %ne3A, %ne3A_44 : i1
      %sub3A = arith.constant 1 : i32
      %sub3A_45 = arith.subi %div3A, %sub3A : i32
      %select_n3A = arith.select %and3A, %sub3A_45, %div3A : i32
      %jit3A_46 = arith.constant 5 : i32
      %eq3A_47 = arith.constant 0 : i32
      %eq3A_48 = arith.cmpi eq, %jit3A_46, %eq3A_47 : i32
      %jit3A_49 = arith.constant 1 : i32
      %select_n3A_50 = arith.select %eq3A_48, %jit3A_49, %jit3A_46 : i32
      %rem3A_51 = arith.remsi %scan3A_29, %select_n3A_50 : i32
      %ne3A_52 = arith.constant 0 : i32
      %ne3A_53 = arith.cmpi ne, %rem3A_51, %ne3A_52 : i32
      %lt3A = arith.constant 0 : i32
      %lt3A_54 = arith.cmpi slt, %rem3A_51, %lt3A : i32
      %lt3A_55 = arith.constant 0 : i32
      %lt3A_56 = arith.cmpi slt, %select_n3A_50, %lt3A_55 : i32
      %ne3A_57 = arith.xori %lt3A_54, %lt3A_56 : i1
      %and3A_58 = arith.andi %ne3A_57, %ne3A_53 : i1
      %add3A = arith.addi %rem3A_51, %select_n3A_50 : i32
      %select_n3A_59 = arith.select %and3A_58, %add3A, %rem3A_51 : i32
      %dma_start3A = arith.constant 0 : i32
      %dma_start3A_60 = tpu.memref_slice %arg4[%select_n3A, %select_n3A_59, %dma_start3A] : memref<25x5x80xi32, #tpu.memory_space<vmem>> -> memref<1x1x80xi32, #tpu.memory_space<vmem>>
      %dma_start3A_61 = tpu.memref_squeeze %dma_start3A_60 : memref<1x1x80xi32, #tpu.memory_space<vmem>> -> memref<80xi32, #tpu.memory_space<vmem>>
      %dma_start3A_62 = arith.constant 0 : i32
      %dma_start3A_63 = tpu.memref_slice %arg7[%dma_start3A_62] : memref<10240xf32, #tpu.memory_space<vmem_shared>> -> memref<10240xf32, #tpu.memory_space<vmem_shared>>
      tpu.enqueue_indirect_dma source(%arg5 : memref<80xf32, #tpu.memory_space<vmem>>) target(%dma_start3A_63 : memref<10240xf32, #tpu.memory_space<vmem_shared>>) offsets(%dma_start3A_61 : memref<80xi32, #tpu.memory_space<vmem>>) semaphore(%arg8 : memref<!tpu.dma_semaphore, #tpu.memory_space<semaphore_mem>>) {add = true}
    }
    %scan3A_19 = arith.constant 125 : i32
    %scan3A_20 = arith.constant 0 : i32
    %scan3A_21 = arith.constant 0 : i32
    %scan3A_22 = arith.constant 125 : i32
    %scan3A_23 = arith.addi %scan3A_21, %scan3A_22 : i32
    %scan3A_24 = arith.constant 1 : i32
    scf.for %scan3A_29 = %scan3A_21 to %scan3A_23 step %scan3A_24  : i32 {
      %dma_wait3A = arith.constant 0 : i32
      %dma_wait3A_30 = tpu.memref_slice %arg7[%dma_wait3A] : memref<10240xf32, #tpu.memory_space<vmem_shared>> -> memref<80xf32, #tpu.memory_space<vmem_shared>>
      %dma_wait3A_31 = arith.constant 0 : i32
      %dma_wait3A_32 = tpu.memref_slice %arg7[%dma_wait3A_31] : memref<10240xf32, #tpu.memory_space<vmem_shared>> -> memref<80xf32, #tpu.memory_space<vmem_shared>>
      tpu.wait_dma2 semaphore(%arg8 : memref<!tpu.dma_semaphore, #tpu.memory_space<semaphore_mem>>) src(%arg5 : memref<80xf32, #tpu.memory_space<vmem>>) dst(%dma_wait3A_32 : memref<80xf32, #tpu.memory_space<vmem_shared>>)
    }
    %scan3A_25 = arith.constant 125 : i32
    %barrier3A_26 = arith.constant 0 : index
    tpu.barrier barrier_id(%barrier3A_26)
    %eq3A = arith.constant 0 : i32
    %eq3A_27 = arith.cmpi eq, %arg0, %eq3A : i32
    %convert_element_type3A = arith.extui %eq3A_27 : i1 to i32
    %cond3A = arith.constant 0 : i32
    %cond3A_28 = arith.cmpi ne, %convert_element_type3A, %cond3A : i32
    scf.if %cond3A_28 {
      %mul3A_29 = arith.constant 640 : i32
      %mul3A_30 = arith.muli %arg1, %mul3A_29 : i32
      %mul3A_31 = arith.constant 640 : i32
      %mul3A_32 = arith.muli %arg1, %mul3A_31 : i32
      "tpu.region"() ({
        %run_scoped3A_33 = tpu.sem_alloc : memref<!tpu.dma_semaphore, #tpu.memory_space<semaphore_mem>>
        %dma_start3A = tpu.memref_slice %arg3[%mul3A_32] : memref<10240xf32, #tpu.memory_space<hbm>> -> memref<640xf32, #tpu.memory_space<hbm>>
        %dma_start3A_34 = tpu.memref_slice %arg7[%mul3A_30] : memref<10240xf32, #tpu.memory_space<vmem_shared>> -> memref<640xf32, #tpu.memory_space<vmem_shared>>
        tpu.enqueue_dma source(%dma_start3A_34 : memref<640xf32, #tpu.memory_space<vmem_shared>>) target(%dma_start3A : memref<640xf32, #tpu.memory_space<hbm>>) target_semaphore(%run_scoped3A_33 : memref<!tpu.dma_semaphore, #tpu.memory_space<semaphore_mem>>)
        %dma_wait3A = tpu.memref_slice %arg3[%mul3A_32] : memref<10240xf32, #tpu.memory_space<hbm>> -> memref<640xf32, #tpu.memory_space<hbm>>
        %dma_wait3A_35 = tpu.memref_slice %arg7[%mul3A_30] : memref<10240xf32, #tpu.memory_space<vmem_shared>> -> memref<640xf32, #tpu.memory_space<vmem_shared>>
        tpu.wait_dma2 semaphore(%run_scoped3A_33 : memref<!tpu.dma_semaphore, #tpu.memory_space<semaphore_mem>>) src(%dma_wait3A_35 : memref<640xf32, #tpu.memory_space<vmem_shared>>) dst(%dma_wait3A : memref<640xf32, #tpu.memory_space<hbm>>)
        tpu.yield
      }) : () -> ()
    } else {
    }
    return
  }
}

#map = affine_map<(d0, d1) -> (0, 0, 0, 0)>
#map1 = affine_map<(d0, d1) -> (0, 0)>
#map2 = affine_map<(d0, d1) -> (0, 0, 0)>
module attributes {stable_mosaic.version = 14 : i64} {
  func.func @_agg_kernel(%arg0: i32, %arg1: i32, %arg2: memref<2x400x5x80xi32, #tpu.memory_space<hbm>>, %arg3: memref<20000x128xf32, #tpu.memory_space<hbm>>, %arg4: memref<2x10240x128xf32, #tpu.memory_space<hbm>>, %arg5: memref<2x5x80xi32, #tpu.memory_space<vmem>>, %arg6: memref<2x5x80xi32, #tpu.memory_space<vmem>>, %arg7: memref<3x80x128xf32, #tpu.memory_space<vmem>>, %arg8: memref<10240x128xf32, #tpu.memory_space<vmem_shared>>, %arg9: memref<!tpu.dma_semaphore, #tpu.memory_space<semaphore_mem>>, %arg10: memref<!tpu.dma_semaphore, #tpu.memory_space<semaphore_mem>>, %arg11: memref<!tpu.dma_semaphore, #tpu.memory_space<semaphore_mem>>) attributes {dimension_semantics = [#tpu.dimension_semantics<core_parallel>, #tpu.dimension_semantics<subcore_parallel>], iteration_bounds = array<i64: 2, 16>, scalar_prefetch = 0 : i64, scratch_operands = 7 : i64, tpu.core_type = #tpu.core_type<sc_vector_subcore>, window_params = [{transform_indices = #map}, {transform_indices = #map1}, {transform_indices = #map2}]} {
    %eq3A = arith.constant 15 : i32
    %eq3A_0 = arith.cmpi eq, %arg1, %eq3A : i32
    %jit3A = arith.constant 5 : i32
    %jit3A_1 = arith.constant 8 : i32
    %select_n3A = arith.select %eq3A_0, %jit3A, %jit3A_1 : i32
    %while3A = arith.constant 0 : i32
    %while3A_2 = arith.constant 0 : i32
    %while3A_3 = arith.subi %select_n3A, %while3A_2 : i32
    %while3A_4 = arith.addi %while3A_2, %while3A_3 : i32
    %while3A_5 = arith.constant 1 : i32
    %while3A_6 = arith.divsi %while3A_3, %while3A_5 : i32
    %while3A_7 = arith.muli %while3A_6, %while3A_5 : i32
    %while3A_8 = arith.addi %while3A_2, %while3A_7 : i32
    %while3A_9 = arith.constant 1 : i32
    scf.for %while3A_112 = %while3A_2 to %while3A_8 step %while3A_9  : i32 {
      %mul3A_113 = arith.constant 10000 : i32
      %mul3A_114 = arith.muli %arg0, %mul3A_113 : i32
      %mul3A_115 = arith.constant 640 : i32
      %mul3A_116 = arith.muli %arg1, %mul3A_115 : i32
      %add3A = arith.addi %mul3A_114, %mul3A_116 : i32
      %mul3A_117 = arith.constant 80 : i32
      %mul3A_118 = arith.muli %while3A_112, %mul3A_117 : i32
      %add3A_119 = arith.addi %add3A, %mul3A_118 : i32
      %mul3A_120 = arith.constant 640 : i32
      %mul3A_121 = arith.muli %arg1, %mul3A_120 : i32
      %mul3A_122 = arith.constant 80 : i32
      %mul3A_123 = arith.muli %while3A_112, %mul3A_122 : i32
      %add3A_124 = arith.addi %mul3A_121, %mul3A_123 : i32
      %dma_start3A_125 = arith.constant 0 : i32
      %dma_start3A_126 = tpu.memref_slice %arg8[%add3A_124, %dma_start3A_125] : memref<10240x128xf32, #tpu.memory_space<vmem_shared>> -> memref<80x128xf32, #tpu.memory_space<vmem_shared>>
      %dma_start3A_127 = arith.constant 0 : i32
      %dma_start3A_128 = tpu.memref_slice %arg3[%add3A_119, %dma_start3A_127] : memref<20000x128xf32, #tpu.memory_space<hbm>> -> memref<80x128xf32, #tpu.memory_space<hbm>>
      tpu.enqueue_dma source(%dma_start3A_128 : memref<80x128xf32, #tpu.memory_space<hbm>>) target(%dma_start3A_126 : memref<80x128xf32, #tpu.memory_space<vmem_shared>>) target_semaphore(%arg11 : memref<!tpu.dma_semaphore, #tpu.memory_space<semaphore_mem>>)
    }
    %while3A_10 = arith.constant 1 : i32
    scf.for %while3A_112 = %while3A_8 to %while3A_4 step %while3A_10  : i32 {
      %mul3A_113 = arith.constant 10000 : i32
      %mul3A_114 = arith.muli %arg0, %mul3A_113 : i32
      %mul3A_115 = arith.constant 640 : i32
      %mul3A_116 = arith.muli %arg1, %mul3A_115 : i32
      %add3A = arith.addi %mul3A_114, %mul3A_116 : i32
      %mul3A_117 = arith.constant 80 : i32
      %mul3A_118 = arith.muli %while3A_112, %mul3A_117 : i32
      %add3A_119 = arith.addi %add3A, %mul3A_118 : i32
      %mul3A_120 = arith.constant 640 : i32
      %mul3A_121 = arith.muli %arg1, %mul3A_120 : i32
      %mul3A_122 = arith.constant 80 : i32
      %mul3A_123 = arith.muli %while3A_112, %mul3A_122 : i32
      %add3A_124 = arith.addi %mul3A_121, %mul3A_123 : i32
      %dma_start3A_125 = arith.constant 0 : i32
      %dma_start3A_126 = tpu.memref_slice %arg8[%add3A_124, %dma_start3A_125] : memref<10240x128xf32, #tpu.memory_space<vmem_shared>> -> memref<80x128xf32, #tpu.memory_space<vmem_shared>>
      %dma_start3A_127 = arith.constant 0 : i32
      %dma_start3A_128 = tpu.memref_slice %arg3[%add3A_119, %dma_start3A_127] : memref<20000x128xf32, #tpu.memory_space<hbm>> -> memref<80x128xf32, #tpu.memory_space<hbm>>
      tpu.enqueue_dma source(%dma_start3A_128 : memref<80x128xf32, #tpu.memory_space<hbm>>) target(%dma_start3A_126 : memref<80x128xf32, #tpu.memory_space<vmem_shared>>) target_semaphore(%arg11 : memref<!tpu.dma_semaphore, #tpu.memory_space<semaphore_mem>>)
    }
    %mul3A = arith.constant 25 : i32
    %mul3A_11 = arith.muli %arg1, %mul3A : i32
    %run_scoped3A = arith.constant 0 : i32
    %run_scoped3A_12 = arith.constant 0 : i32
    "tpu.region"() ({
      %run_scoped3A_112 = tpu.sem_alloc : memref<!tpu.dma_semaphore, #tpu.memory_space<semaphore_mem>>
      %dma_start3A_113 = arith.constant 0 : i32
      %dma_start3A_114 = arith.constant 0 : i32
      %dma_start3A_115 = tpu.memref_slice %arg5[%run_scoped3A_12, %dma_start3A_113, %dma_start3A_114] : memref<2x5x80xi32, #tpu.memory_space<vmem>> -> memref<1x5x80xi32, #tpu.memory_space<vmem>>
      %dma_start3A_116 = tpu.memref_squeeze %dma_start3A_115 : memref<1x5x80xi32, #tpu.memory_space<vmem>> -> memref<5x80xi32, #tpu.memory_space<vmem>>
      %dma_start3A_117 = arith.constant 0 : i32
      %dma_start3A_118 = arith.constant 0 : i32
      %dma_start3A_119 = tpu.memref_slice %arg2[%run_scoped3A, %mul3A_11, %dma_start3A_117, %dma_start3A_118] : memref<2x400x5x80xi32, #tpu.memory_space<hbm>> -> memref<1x1x5x80xi32, #tpu.memory_space<hbm>>
      %dma_start3A_120 = tpu.memref_squeeze %dma_start3A_119 : memref<1x1x5x80xi32, #tpu.memory_space<hbm>> -> memref<5x80xi32, #tpu.memory_space<hbm>>
      %dma_start3A_121 = arith.constant 0 : i32
      %dma_start3A_122 = arith.constant 0 : i32
      %dma_start3A_123 = tpu.memref_slice %arg5[%run_scoped3A_12, %dma_start3A_121, %dma_start3A_122] : memref<2x5x80xi32, #tpu.memory_space<vmem>> -> memref<1x5x80xi32, #tpu.memory_space<vmem>>
      %dma_start3A_124 = tpu.memref_squeeze %dma_start3A_123 : memref<1x5x80xi32, #tpu.memory_space<vmem>> -> memref<5x80xi32, #tpu.memory_space<vmem>>
      %dma_start3A_125 = arith.constant 0 : i32
      %dma_start3A_126 = arith.constant 0 : i32
      %dma_start3A_127 = tpu.memref_slice %arg2[%run_scoped3A, %mul3A_11, %dma_start3A_125, %dma_start3A_126] : memref<2x400x5x80xi32, #tpu.memory_space<hbm>> -> memref<1x1x5x80xi32, #tpu.memory_space<hbm>>
      %dma_start3A_128 = tpu.memref_squeeze %dma_start3A_127 : memref<1x1x5x80xi32, #tpu.memory_space<hbm>> -> memref<5x80xi32, #tpu.memory_space<hbm>>
      tpu.enqueue_dma source(%dma_start3A_128 : memref<5x80xi32, #tpu.memory_space<hbm>>) target(%dma_start3A_124 : memref<5x80xi32, #tpu.memory_space<vmem>>) target_semaphore(%run_scoped3A_112 : memref<!tpu.dma_semaphore, #tpu.memory_space<semaphore_mem>>)
      %dma_wait3A_129 = arith.constant 0 : i32
      %dma_wait3A_130 = arith.constant 0 : i32
      %dma_wait3A_131 = tpu.memref_slice %arg5[%run_scoped3A_12, %dma_wait3A_129, %dma_wait3A_130] : memref<2x5x80xi32, #tpu.memory_space<vmem>> -> memref<1x5x80xi32, #tpu.memory_space<vmem>>
      %dma_wait3A_132 = tpu.memref_squeeze %dma_wait3A_131 : memref<1x5x80xi32, #tpu.memory_space<vmem>> -> memref<5x80xi32, #tpu.memory_space<vmem>>
      %dma_wait3A_133 = arith.constant 0 : i32
      %dma_wait3A_134 = arith.constant 0 : i32
      %dma_wait3A_135 = tpu.memref_slice %arg2[%run_scoped3A, %mul3A_11, %dma_wait3A_133, %dma_wait3A_134] : memref<2x400x5x80xi32, #tpu.memory_space<hbm>> -> memref<1x1x5x80xi32, #tpu.memory_space<hbm>>
      %dma_wait3A_136 = tpu.memref_squeeze %dma_wait3A_135 : memref<1x1x5x80xi32, #tpu.memory_space<hbm>> -> memref<5x80xi32, #tpu.memory_space<hbm>>
      %dma_wait3A_137 = arith.constant 0 : i32
      %dma_wait3A_138 = arith.constant 0 : i32
      %dma_wait3A_139 = tpu.memref_slice %arg5[%run_scoped3A_12, %dma_wait3A_137, %dma_wait3A_138] : memref<2x5x80xi32, #tpu.memory_space<vmem>> -> memref<1x5x80xi32, #tpu.memory_space<vmem>>
      %dma_wait3A_140 = tpu.memref_squeeze %dma_wait3A_139 : memref<1x5x80xi32, #tpu.memory_space<vmem>> -> memref<5x80xi32, #tpu.memory_space<vmem>>
      %dma_wait3A_141 = arith.constant 0 : i32
      %dma_wait3A_142 = arith.constant 0 : i32
      %dma_wait3A_143 = tpu.memref_slice %arg2[%run_scoped3A, %mul3A_11, %dma_wait3A_141, %dma_wait3A_142] : memref<2x400x5x80xi32, #tpu.memory_space<hbm>> -> memref<1x1x5x80xi32, #tpu.memory_space<hbm>>
      %dma_wait3A_144 = tpu.memref_squeeze %dma_wait3A_143 : memref<1x1x5x80xi32, #tpu.memory_space<hbm>> -> memref<5x80xi32, #tpu.memory_space<hbm>>
      tpu.wait_dma2 semaphore(%run_scoped3A_112 : memref<!tpu.dma_semaphore, #tpu.memory_space<semaphore_mem>>) src(%dma_wait3A_144 : memref<5x80xi32, #tpu.memory_space<hbm>>) dst(%dma_wait3A_140 : memref<5x80xi32, #tpu.memory_space<vmem>>)
      tpu.yield
    }) : () -> ()
    %mul3A_13 = arith.constant 25 : i32
    %mul3A_14 = arith.muli %arg1, %mul3A_13 : i32
    %run_scoped3A_15 = arith.constant 1 : i32
    %run_scoped3A_16 = arith.constant 0 : i32
    "tpu.region"() ({
      %run_scoped3A_112 = tpu.sem_alloc : memref<!tpu.dma_semaphore, #tpu.memory_space<semaphore_mem>>
      %dma_start3A_113 = arith.constant 0 : i32
      %dma_start3A_114 = arith.constant 0 : i32
      %dma_start3A_115 = tpu.memref_slice %arg6[%run_scoped3A_16, %dma_start3A_113, %dma_start3A_114] : memref<2x5x80xi32, #tpu.memory_space<vmem>> -> memref<1x5x80xi32, #tpu.memory_space<vmem>>
      %dma_start3A_116 = tpu.memref_squeeze %dma_start3A_115 : memref<1x5x80xi32, #tpu.memory_space<vmem>> -> memref<5x80xi32, #tpu.memory_space<vmem>>
      %dma_start3A_117 = arith.constant 0 : i32
      %dma_start3A_118 = arith.constant 0 : i32
      %dma_start3A_119 = tpu.memref_slice %arg2[%run_scoped3A_15, %mul3A_14, %dma_start3A_117, %dma_start3A_118] : memref<2x400x5x80xi32, #tpu.memory_space<hbm>> -> memref<1x1x5x80xi32, #tpu.memory_space<hbm>>
      %dma_start3A_120 = tpu.memref_squeeze %dma_start3A_119 : memref<1x1x5x80xi32, #tpu.memory_space<hbm>> -> memref<5x80xi32, #tpu.memory_space<hbm>>
      %dma_start3A_121 = arith.constant 0 : i32
      %dma_start3A_122 = arith.constant 0 : i32
      %dma_start3A_123 = tpu.memref_slice %arg6[%run_scoped3A_16, %dma_start3A_121, %dma_start3A_122] : memref<2x5x80xi32, #tpu.memory_space<vmem>> -> memref<1x5x80xi32, #tpu.memory_space<vmem>>
      %dma_start3A_124 = tpu.memref_squeeze %dma_start3A_123 : memref<1x5x80xi32, #tpu.memory_space<vmem>> -> memref<5x80xi32, #tpu.memory_space<vmem>>
      %dma_start3A_125 = arith.constant 0 : i32
      %dma_start3A_126 = arith.constant 0 : i32
      %dma_start3A_127 = tpu.memref_slice %arg2[%run_scoped3A_15, %mul3A_14, %dma_start3A_125, %dma_start3A_126] : memref<2x400x5x80xi32, #tpu.memory_space<hbm>> -> memref<1x1x5x80xi32, #tpu.memory_space<hbm>>
      %dma_start3A_128 = tpu.memref_squeeze %dma_start3A_127 : memref<1x1x5x80xi32, #tpu.memory_space<hbm>> -> memref<5x80xi32, #tpu.memory_space<hbm>>
      tpu.enqueue_dma source(%dma_start3A_128 : memref<5x80xi32, #tpu.memory_space<hbm>>) target(%dma_start3A_124 : memref<5x80xi32, #tpu.memory_space<vmem>>) target_semaphore(%run_scoped3A_112 : memref<!tpu.dma_semaphore, #tpu.memory_space<semaphore_mem>>)
      %dma_wait3A_129 = arith.constant 0 : i32
      %dma_wait3A_130 = arith.constant 0 : i32
      %dma_wait3A_131 = tpu.memref_slice %arg6[%run_scoped3A_16, %dma_wait3A_129, %dma_wait3A_130] : memref<2x5x80xi32, #tpu.memory_space<vmem>> -> memref<1x5x80xi32, #tpu.memory_space<vmem>>
      %dma_wait3A_132 = tpu.memref_squeeze %dma_wait3A_131 : memref<1x5x80xi32, #tpu.memory_space<vmem>> -> memref<5x80xi32, #tpu.memory_space<vmem>>
      %dma_wait3A_133 = arith.constant 0 : i32
      %dma_wait3A_134 = arith.constant 0 : i32
      %dma_wait3A_135 = tpu.memref_slice %arg2[%run_scoped3A_15, %mul3A_14, %dma_wait3A_133, %dma_wait3A_134] : memref<2x400x5x80xi32, #tpu.memory_space<hbm>> -> memref<1x1x5x80xi32, #tpu.memory_space<hbm>>
      %dma_wait3A_136 = tpu.memref_squeeze %dma_wait3A_135 : memref<1x1x5x80xi32, #tpu.memory_space<hbm>> -> memref<5x80xi32, #tpu.memory_space<hbm>>
      %dma_wait3A_137 = arith.constant 0 : i32
      %dma_wait3A_138 = arith.constant 0 : i32
      %dma_wait3A_139 = tpu.memref_slice %arg6[%run_scoped3A_16, %dma_wait3A_137, %dma_wait3A_138] : memref<2x5x80xi32, #tpu.memory_space<vmem>> -> memref<1x5x80xi32, #tpu.memory_space<vmem>>
      %dma_wait3A_140 = tpu.memref_squeeze %dma_wait3A_139 : memref<1x5x80xi32, #tpu.memory_space<vmem>> -> memref<5x80xi32, #tpu.memory_space<vmem>>
      %dma_wait3A_141 = arith.constant 0 : i32
      %dma_wait3A_142 = arith.constant 0 : i32
      %dma_wait3A_143 = tpu.memref_slice %arg2[%run_scoped3A_15, %mul3A_14, %dma_wait3A_141, %dma_wait3A_142] : memref<2x400x5x80xi32, #tpu.memory_space<hbm>> -> memref<1x1x5x80xi32, #tpu.memory_space<hbm>>
      %dma_wait3A_144 = tpu.memref_squeeze %dma_wait3A_143 : memref<1x1x5x80xi32, #tpu.memory_space<hbm>> -> memref<5x80xi32, #tpu.memory_space<hbm>>
      tpu.wait_dma2 semaphore(%run_scoped3A_112 : memref<!tpu.dma_semaphore, #tpu.memory_space<semaphore_mem>>) src(%dma_wait3A_144 : memref<5x80xi32, #tpu.memory_space<hbm>>) dst(%dma_wait3A_140 : memref<5x80xi32, #tpu.memory_space<vmem>>)
      tpu.yield
    }) : () -> ()
    %scan3A = arith.constant 0 : i32
    %scan3A_17 = arith.constant 0 : i32
    %scan3A_18 = arith.constant 25 : i32
    %scan3A_19 = arith.addi %scan3A_17, %scan3A_18 : i32
    %scan3A_20 = arith.constant 1 : i32
    scf.for %scan3A_112 = %scan3A_17 to %scan3A_19 step %scan3A_20  : i32 {
      %jit3A_113 = arith.constant 5 : i32
      %div3A = arith.divsi %scan3A_112, %jit3A_113 : i32
      %sign3A = arith.constant 0 : i32
      %sign3A_114 = arith.cmpi sgt, %scan3A_112, %sign3A : i32
      %sign3A_115 = arith.extui %sign3A_114 : i1 to i32
      %sign3A_116 = arith.constant 0 : i32
      %sign3A_117 = arith.cmpi slt, %scan3A_112, %sign3A_116 : i32
      %sign3A_118 = arith.extui %sign3A_117 : i1 to i32
      %sign3A_119 = arith.subi %sign3A_115, %sign3A_118 : i32
      %sign3A_120 = arith.constant 0 : i32
      %sign3A_121 = arith.cmpi sgt, %jit3A_113, %sign3A_120 : i32
      %sign3A_122 = arith.extui %sign3A_121 : i1 to i32
      %sign3A_123 = arith.constant 0 : i32
      %sign3A_124 = arith.cmpi slt, %jit3A_113, %sign3A_123 : i32
      %sign3A_125 = arith.extui %sign3A_124 : i1 to i32
      %sign3A_126 = arith.subi %sign3A_122, %sign3A_125 : i32
      %ne3A = arith.cmpi ne, %sign3A_119, %sign3A_126 : i32
      %rem3A = arith.remsi %scan3A_112, %jit3A_113 : i32
      %ne3A_127 = arith.constant 0 : i32
      %ne3A_128 = arith.cmpi ne, %rem3A, %ne3A_127 : i32
      %and3A = arith.andi %ne3A, %ne3A_128 : i1
      %sub3A = arith.constant 1 : i32
      %sub3A_129 = arith.subi %div3A, %sub3A : i32
      %select_n3A_130 = arith.select %and3A, %sub3A_129, %div3A : i32
      %jit3A_131 = arith.constant 5 : i32
      %eq3A_132 = arith.constant 0 : i32
      %eq3A_133 = arith.cmpi eq, %jit3A_131, %eq3A_132 : i32
      %jit3A_134 = arith.constant 1 : i32
      %select_n3A_135 = arith.select %eq3A_133, %jit3A_134, %jit3A_131 : i32
      %rem3A_136 = arith.remsi %scan3A_112, %select_n3A_135 : i32
      %ne3A_137 = arith.constant 0 : i32
      %ne3A_138 = arith.cmpi ne, %rem3A_136, %ne3A_137 : i32
      %lt3A = arith.constant 0 : i32
      %lt3A_139 = arith.cmpi slt, %rem3A_136, %lt3A : i32
      %lt3A_140 = arith.constant 0 : i32
      %lt3A_141 = arith.cmpi slt, %select_n3A_135, %lt3A_140 : i32
      %ne3A_142 = arith.xori %lt3A_139, %lt3A_141 : i1
      %and3A_143 = arith.andi %ne3A_142, %ne3A_138 : i1
      %add3A = arith.addi %rem3A_136, %select_n3A_135 : i32
      %select_n3A_144 = arith.select %and3A_143, %add3A, %rem3A_136 : i32
      %mul3A_145 = arith.constant 16 : i32
      %mul3A_146 = arith.muli %select_n3A_144, %mul3A_145 : i32
      %get3A = arith.constant 0 : i32
      %get3A_147 = arith.index_cast %get3A : i32 to index
      %get3A_148 = arith.index_cast %select_n3A_130 : i32 to index
      %get3A_149 = arith.index_cast %mul3A_146 : i32 to index
      %get3A_150 = tpu.vector_load %arg5[%get3A_147, %get3A_148, %get3A_149] {strides = array<i32>} : memref<2x5x80xi32, #tpu.memory_space<vmem>>, vector<1x1x16xi32>,
      %get3A_151 = vector.shape_cast %get3A_150 : vector<1x1x16xi32> to vector<16xi32>
      %mul3A_152 = arith.constant 10000 : i32
      %mul3A_153 = arith.muli %arg0, %mul3A_152 : i32
      %add3A_154 = vector.broadcast %mul3A_153 : i32 to vector<16xi32>
      %add3A_155 = arith.addi %get3A_151, %add3A_154 : vector<16xi32>
      %mul3A_156 = arith.constant 16 : i32
      %mul3A_157 = arith.muli %select_n3A_144, %mul3A_156 : i32
      %swap3A = arith.constant 0 : i32
      %swap3A_158 = arith.index_cast %swap3A : i32 to index
      %swap3A_159 = arith.index_cast %select_n3A_130 : i32 to index
      %swap3A_160 = arith.index_cast %mul3A_157 : i32 to index
      %swap3A_161 = tpu.vector_load %arg5[%swap3A_158, %swap3A_159, %swap3A_160] {strides = array<i32>} : memref<2x5x80xi32, #tpu.memory_space<vmem>>, vector<1x1x16xi32>,
      %swap3A_162 = vector.shape_cast %swap3A_161 : vector<1x1x16xi32> to vector<16xi32>
      %swap3A_163 = vector.shape_cast %add3A_155 : vector<16xi32> to vector<1x1x16xi32>
      tpu.vector_store %arg5[%swap3A_158, %swap3A_159, %swap3A_160], %swap3A_163 {strides = array<i32>} : memref<2x5x80xi32, #tpu.memory_space<vmem>>, vector<1x1x16xi32>,
    }
    %scan3A_21 = arith.constant 25 : i32
    %dma_start3A = arith.constant 0 : i32
    %dma_start3A_22 = arith.constant 0 : i32
    %dma_start3A_23 = arith.constant 0 : i32
    %dma_start3A_24 = arith.constant 0 : i32
    %dma_start3A_25 = arith.constant 0 : i32
    %dma_start3A_26 = tpu.memref_slice %arg7[%dma_start3A_23, %dma_start3A_24, %dma_start3A_25] : memref<3x80x128xf32, #tpu.memory_space<vmem>> -> memref<1x80x128xf32, #tpu.memory_space<vmem>>
    %dma_start3A_27 = tpu.memref_squeeze %dma_start3A_26 : memref<1x80x128xf32, #tpu.memory_space<vmem>> -> memref<80x128xf32, #tpu.memory_space<vmem>>
    %dma_start3A_28 = arith.constant 0 : i32
    %dma_start3A_29 = tpu.memref_slice %arg5[%dma_start3A, %dma_start3A_22, %dma_start3A_28] : memref<2x5x80xi32, #tpu.memory_space<vmem>> -> memref<1x1x80xi32, #tpu.memory_space<vmem>>
    %dma_start3A_30 = tpu.memref_squeeze %dma_start3A_29 : memref<1x1x80xi32, #tpu.memory_space<vmem>> -> memref<80xi32, #tpu.memory_space<vmem>>
    %dma_start3A_31 = arith.constant 0 : i32
    %dma_start3A_32 = arith.constant 0 : i32
    %dma_start3A_33 = tpu.memref_slice %arg3[%dma_start3A_31, %dma_start3A_32] : memref<20000x128xf32, #tpu.memory_space<hbm>> -> memref<20000x128xf32, #tpu.memory_space<hbm>>
    tpu.enqueue_indirect_dma source(%dma_start3A_33 : memref<20000x128xf32, #tpu.memory_space<hbm>>) target(%dma_start3A_27 : memref<80x128xf32, #tpu.memory_space<vmem>>) offsets(%dma_start3A_30 : memref<80xi32, #tpu.memory_space<vmem>>) semaphore(%arg9 : memref<!tpu.dma_semaphore, #tpu.memory_space<semaphore_mem>>)
    %dma_start3A_34 = arith.constant 0 : i32
    %dma_start3A_35 = arith.constant 1 : i32
    %dma_start3A_36 = arith.constant 1 : i32
    %dma_start3A_37 = arith.constant 0 : i32
    %dma_start3A_38 = arith.constant 0 : i32
    %dma_start3A_39 = tpu.memref_slice %arg7[%dma_start3A_36, %dma_start3A_37, %dma_start3A_38] : memref<3x80x128xf32, #tpu.memory_space<vmem>> -> memref<1x80x128xf32, #tpu.memory_space<vmem>>
    %dma_start3A_40 = tpu.memref_squeeze %dma_start3A_39 : memref<1x80x128xf32, #tpu.memory_space<vmem>> -> memref<80x128xf32, #tpu.memory_space<vmem>>
    %dma_start3A_41 = arith.constant 0 : i32
    %dma_start3A_42 = tpu.memref_slice %arg5[%dma_start3A_34, %dma_start3A_35, %dma_start3A_41] : memref<2x5x80xi32, #tpu.memory_space<vmem>> -> memref<1x1x80xi32, #tpu.memory_space<vmem>>
    %dma_start3A_43 = tpu.memref_squeeze %dma_start3A_42 : memref<1x1x80xi32, #tpu.memory_space<vmem>> -> memref<80xi32, #tpu.memory_space<vmem>>
    %dma_start3A_44 = arith.constant 0 : i32
    %dma_start3A_45 = arith.constant 0 : i32
    %dma_start3A_46 = tpu.memref_slice %arg3[%dma_start3A_44, %dma_start3A_45] : memref<20000x128xf32, #tpu.memory_space<hbm>> -> memref<20000x128xf32, #tpu.memory_space<hbm>>
    tpu.enqueue_indirect_dma source(%dma_start3A_46 : memref<20000x128xf32, #tpu.memory_space<hbm>>) target(%dma_start3A_40 : memref<80x128xf32, #tpu.memory_space<vmem>>) offsets(%dma_start3A_43 : memref<80xi32, #tpu.memory_space<vmem>>) semaphore(%arg9 : memref<!tpu.dma_semaphore, #tpu.memory_space<semaphore_mem>>)
    %while3A_47 = arith.constant 0 : i32
    %while3A_48 = arith.constant 0 : i32
    %while3A_49 = arith.subi %select_n3A, %while3A_48 : i32
    %while3A_50 = arith.addi %while3A_48, %while3A_49 : i32
    %while3A_51 = arith.constant 1 : i32
    %while3A_52 = arith.divsi %while3A_49, %while3A_51 : i32
    %while3A_53 = arith.muli %while3A_52, %while3A_51 : i32
    %while3A_54 = arith.addi %while3A_48, %while3A_53 : i32
    %while3A_55 = arith.constant 1 : i32
    scf.for %while3A_112 = %while3A_48 to %while3A_54 step %while3A_55  : i32 {
      %dma_wait3A_113 = arith.constant 0 : i32
      %dma_wait3A_114 = arith.constant 0 : i32
      %dma_wait3A_115 = tpu.memref_slice %arg8[%dma_wait3A_113, %dma_wait3A_114] : memref<10240x128xf32, #tpu.memory_space<vmem_shared>> -> memref<80x128xf32, #tpu.memory_space<vmem_shared>>
      %dma_wait3A_116 = arith.constant 0 : i32
      %dma_wait3A_117 = arith.constant 0 : i32
      %dma_wait3A_118 = tpu.memref_slice %arg3[%dma_wait3A_116, %dma_wait3A_117] : memref<20000x128xf32, #tpu.memory_space<hbm>> -> memref<80x128xf32, #tpu.memory_space<hbm>>
      tpu.wait_dma2 semaphore(%arg11 : memref<!tpu.dma_semaphore, #tpu.memory_space<semaphore_mem>>) src(%dma_wait3A_118 : memref<80x128xf32, #tpu.memory_space<hbm>>) dst(%dma_wait3A_115 : memref<80x128xf32, #tpu.memory_space<vmem_shared>>)
    }
    %while3A_56 = arith.constant 1 : i32
    scf.for %while3A_112 = %while3A_54 to %while3A_50 step %while3A_56  : i32 {
      %dma_wait3A_113 = arith.constant 0 : i32
      %dma_wait3A_114 = arith.constant 0 : i32
      %dma_wait3A_115 = tpu.memref_slice %arg8[%dma_wait3A_113, %dma_wait3A_114] : memref<10240x128xf32, #tpu.memory_space<vmem_shared>> -> memref<80x128xf32, #tpu.memory_space<vmem_shared>>
      %dma_wait3A_116 = arith.constant 0 : i32
      %dma_wait3A_117 = arith.constant 0 : i32
      %dma_wait3A_118 = tpu.memref_slice %arg3[%dma_wait3A_116, %dma_wait3A_117] : memref<20000x128xf32, #tpu.memory_space<hbm>> -> memref<80x128xf32, #tpu.memory_space<hbm>>
      tpu.wait_dma2 semaphore(%arg11 : memref<!tpu.dma_semaphore, #tpu.memory_space<semaphore_mem>>) src(%dma_wait3A_118 : memref<80x128xf32, #tpu.memory_space<hbm>>) dst(%dma_wait3A_115 : memref<80x128xf32, #tpu.memory_space<vmem_shared>>)
    }
    %barrier3A = arith.constant 0 : index
    tpu.barrier barrier_id(%barrier3A)
    %scan3A_57 = arith.constant 0 : i32
    %scan3A_58 = arith.constant 0 : i32
    %scan3A_59 = arith.constant 125 : i32
    %scan3A_60 = arith.addi %scan3A_58, %scan3A_59 : i32
    %scan3A_61 = arith.constant 1 : i32
    scf.for %scan3A_112 = %scan3A_58 to %scan3A_60 step %scan3A_61  : i32 {
      %jit3A_113 = arith.constant 5 : i32
      %div3A = arith.divsi %scan3A_112, %jit3A_113 : i32
      %sign3A = arith.constant 0 : i32
      %sign3A_114 = arith.cmpi sgt, %scan3A_112, %sign3A : i32
      %sign3A_115 = arith.extui %sign3A_114 : i1 to i32
      %sign3A_116 = arith.constant 0 : i32
      %sign3A_117 = arith.cmpi slt, %scan3A_112, %sign3A_116 : i32
      %sign3A_118 = arith.extui %sign3A_117 : i1 to i32
      %sign3A_119 = arith.subi %sign3A_115, %sign3A_118 : i32
      %sign3A_120 = arith.constant 0 : i32
      %sign3A_121 = arith.cmpi sgt, %jit3A_113, %sign3A_120 : i32
      %sign3A_122 = arith.extui %sign3A_121 : i1 to i32
      %sign3A_123 = arith.constant 0 : i32
      %sign3A_124 = arith.cmpi slt, %jit3A_113, %sign3A_123 : i32
      %sign3A_125 = arith.extui %sign3A_124 : i1 to i32
      %sign3A_126 = arith.subi %sign3A_122, %sign3A_125 : i32
      %ne3A = arith.cmpi ne, %sign3A_119, %sign3A_126 : i32
      %rem3A = arith.remsi %scan3A_112, %jit3A_113 : i32
      %ne3A_127 = arith.constant 0 : i32
      %ne3A_128 = arith.cmpi ne, %rem3A, %ne3A_127 : i32
      %and3A = arith.andi %ne3A, %ne3A_128 : i1
      %sub3A = arith.constant 1 : i32
      %sub3A_129 = arith.subi %div3A, %sub3A : i32
      %select_n3A_130 = arith.select %and3A, %sub3A_129, %div3A : i32
      %mul3A_131 = arith.constant 5 : i32
      %mul3A_132 = arith.muli %select_n3A_130, %mul3A_131 : i32
      %sub3A_133 = arith.subi %scan3A_112, %mul3A_132 : i32
      %rem3A_134 = arith.constant 2 : i32
      %rem3A_135 = arith.remsi %select_n3A_130, %rem3A_134 : i32
      %sub3A_136 = arith.constant 1 : i32
      %sub3A_137 = arith.subi %sub3A_136, %rem3A_135 : i32
      %eq3A_138 = arith.constant 2 : i32
      %eq3A_139 = arith.cmpi eq, %sub3A_133, %eq3A_138 : i32
      %add3A = arith.constant 1 : i32
      %add3A_140 = arith.addi %select_n3A_130, %add3A : i32
      %lt3A = arith.constant 25 : i32
      %lt3A_141 = arith.cmpi slt, %add3A_140, %lt3A : i32
      %and3A_142 = arith.andi %eq3A_139, %lt3A_141 : i1
      %convert_element_type3A = arith.extui %and3A_142 : i1 to i32
      %cond3A = arith.constant 0 : i32
      %cond3A_143 = arith.cmpi ne, %convert_element_type3A, %cond3A : i32
      scf.if %cond3A_143 {
        %mul3A_189 = arith.constant 25 : i32
        %mul3A_190 = arith.muli %arg1, %mul3A_189 : i32
        %add3A_191 = arith.addi %mul3A_190, %select_n3A_130 : i32
        %add3A_192 = arith.constant 1 : i32
        %add3A_193 = arith.addi %add3A_191, %add3A_192 : i32
        %dma_start3A_194 = arith.constant 0 : i32
        %dma_start3A_195 = arith.constant 0 : i32
        %dma_start3A_196 = arith.constant 0 : i32
        %dma_start3A_197 = tpu.memref_slice %arg5[%sub3A_137, %dma_start3A_195, %dma_start3A_196] : memref<2x5x80xi32, #tpu.memory_space<vmem>> -> memref<1x5x80xi32, #tpu.memory_space<vmem>>
        %dma_start3A_198 = tpu.memref_squeeze %dma_start3A_197 : memref<1x5x80xi32, #tpu.memory_space<vmem>> -> memref<5x80xi32, #tpu.memory_space<vmem>>
        %dma_start3A_199 = arith.constant 0 : i32
        %dma_start3A_200 = arith.constant 0 : i32
        %dma_start3A_201 = tpu.memref_slice %arg2[%dma_start3A_194, %add3A_193, %dma_start3A_199, %dma_start3A_200] : memref<2x400x5x80xi32, #tpu.memory_space<hbm>> -> memref<1x1x5x80xi32, #tpu.memory_space<hbm>>
        %dma_start3A_202 = tpu.memref_squeeze %dma_start3A_201 : memref<1x1x5x80xi32, #tpu.memory_space<hbm>> -> memref<5x80xi32, #tpu.memory_space<hbm>>
        %dma_start3A_203 = arith.constant 0 : i32
        %dma_start3A_204 = arith.constant 0 : i32
        %dma_start3A_205 = tpu.memref_slice %arg5[%sub3A_137, %dma_start3A_203, %dma_start3A_204] : memref<2x5x80xi32, #tpu.memory_space<vmem>> -> memref<1x5x80xi32, #tpu.memory_space<vmem>>
        %dma_start3A_206 = tpu.memref_squeeze %dma_start3A_205 : memref<1x5x80xi32, #tpu.memory_space<vmem>> -> memref<5x80xi32, #tpu.memory_space<vmem>>
        %dma_start3A_207 = arith.constant 0 : i32
        %dma_start3A_208 = arith.constant 0 : i32
        %dma_start3A_209 = tpu.memref_slice %arg2[%dma_start3A_194, %add3A_193, %dma_start3A_207, %dma_start3A_208] : memref<2x400x5x80xi32, #tpu.memory_space<hbm>> -> memref<1x1x5x80xi32, #tpu.memory_space<hbm>>
        %dma_start3A_210 = tpu.memref_squeeze %dma_start3A_209 : memref<1x1x5x80xi32, #tpu.memory_space<hbm>> -> memref<5x80xi32, #tpu.memory_space<hbm>>
        tpu.enqueue_dma source(%dma_start3A_210 : memref<5x80xi32, #tpu.memory_space<hbm>>) target(%dma_start3A_206 : memref<5x80xi32, #tpu.memory_space<vmem>>) target_semaphore(%arg11 : memref<!tpu.dma_semaphore, #tpu.memory_space<semaphore_mem>>)
        %mul3A_211 = arith.constant 25 : i32
        %mul3A_212 = arith.muli %arg1, %mul3A_211 : i32
        %add3A_213 = arith.addi %mul3A_212, %select_n3A_130 : i32
        %add3A_214 = arith.constant 1 : i32
        %add3A_215 = arith.addi %add3A_213, %add3A_214 : i32
        %dma_start3A_216 = arith.constant 1 : i32
        %dma_start3A_217 = arith.constant 0 : i32
        %dma_start3A_218 = arith.constant 0 : i32
        %dma_start3A_219 = tpu.memref_slice %arg6[%sub3A_137, %dma_start3A_217, %dma_start3A_218] : memref<2x5x80xi32, #tpu.memory_space<vmem>> -> memref<1x5x80xi32, #tpu.memory_space<vmem>>
        %dma_start3A_220 = tpu.memref_squeeze %dma_start3A_219 : memref<1x5x80xi32, #tpu.memory_space<vmem>> -> memref<5x80xi32, #tpu.memory_space<vmem>>
        %dma_start3A_221 = arith.constant 0 : i32
        %dma_start3A_222 = arith.constant 0 : i32
        %dma_start3A_223 = tpu.memref_slice %arg2[%dma_start3A_216, %add3A_215, %dma_start3A_221, %dma_start3A_222] : memref<2x400x5x80xi32, #tpu.memory_space<hbm>> -> memref<1x1x5x80xi32, #tpu.memory_space<hbm>>
        %dma_start3A_224 = tpu.memref_squeeze %dma_start3A_223 : memref<1x1x5x80xi32, #tpu.memory_space<hbm>> -> memref<5x80xi32, #tpu.memory_space<hbm>>
        %dma_start3A_225 = arith.constant 0 : i32
        %dma_start3A_226 = arith.constant 0 : i32
        %dma_start3A_227 = tpu.memref_slice %arg6[%sub3A_137, %dma_start3A_225, %dma_start3A_226] : memref<2x5x80xi32, #tpu.memory_space<vmem>> -> memref<1x5x80xi32, #tpu.memory_space<vmem>>
        %dma_start3A_228 = tpu.memref_squeeze %dma_start3A_227 : memref<1x5x80xi32, #tpu.memory_space<vmem>> -> memref<5x80xi32, #tpu.memory_space<vmem>>
        %dma_start3A_229 = arith.constant 0 : i32
        %dma_start3A_230 = arith.constant 0 : i32
        %dma_start3A_231 = tpu.memref_slice %arg2[%dma_start3A_216, %add3A_215, %dma_start3A_229, %dma_start3A_230] : memref<2x400x5x80xi32, #tpu.memory_space<hbm>> -> memref<1x1x5x80xi32, #tpu.memory_space<hbm>>
        %dma_start3A_232 = tpu.memref_squeeze %dma_start3A_231 : memref<1x1x5x80xi32, #tpu.memory_space<hbm>> -> memref<5x80xi32, #tpu.memory_space<hbm>>
        tpu.enqueue_dma source(%dma_start3A_232 : memref<5x80xi32, #tpu.memory_space<hbm>>) target(%dma_start3A_228 : memref<5x80xi32, #tpu.memory_space<vmem>>) target_semaphore(%arg11 : memref<!tpu.dma_semaphore, #tpu.memory_space<semaphore_mem>>)
      } else {
      }
      %eq3A_144 = arith.constant 3 : i32
      %eq3A_145 = arith.cmpi eq, %sub3A_133, %eq3A_144 : i32
      %add3A_146 = arith.constant 1 : i32
      %add3A_147 = arith.addi %select_n3A_130, %add3A_146 : i32
      %lt3A_148 = arith.constant 25 : i32
      %lt3A_149 = arith.cmpi slt, %add3A_147, %lt3A_148 : i32
      %and3A_150 = arith.andi %eq3A_145, %lt3A_149 : i1
      %convert_element_type3A_151 = arith.extui %and3A_150 : i1 to i32
      %cond3A_152 = arith.constant 0 : i32
      %cond3A_153 = arith.cmpi ne, %convert_element_type3A_151, %cond3A_152 : i32
      scf.if %cond3A_153 {
        %dma_wait3A_189 = arith.constant 0 : i32
        %dma_wait3A_190 = arith.constant 0 : i32
        %dma_wait3A_191 = arith.constant 0 : i32
        %dma_wait3A_192 = arith.constant 0 : i32
        %dma_wait3A_193 = arith.constant 0 : i32
        %dma_wait3A_194 = tpu.memref_slice %arg5[%dma_wait3A_191, %dma_wait3A_192, %dma_wait3A_193] : memref<2x5x80xi32, #tpu.memory_space<vmem>> -> memref<1x5x80xi32, #tpu.memory_space<vmem>>
        %dma_wait3A_195 = tpu.memref_squeeze %dma_wait3A_194 : memref<1x5x80xi32, #tpu.memory_space<vmem>> -> memref<5x80xi32, #tpu.memory_space<vmem>>
        %dma_wait3A_196 = arith.constant 0 : i32
        %dma_wait3A_197 = arith.constant 0 : i32
        %dma_wait3A_198 = tpu.memref_slice %arg2[%dma_wait3A_189, %dma_wait3A_190, %dma_wait3A_196, %dma_wait3A_197] : memref<2x400x5x80xi32, #tpu.memory_space<hbm>> -> memref<1x1x5x80xi32, #tpu.memory_space<hbm>>
        %dma_wait3A_199 = tpu.memref_squeeze %dma_wait3A_198 : memref<1x1x5x80xi32, #tpu.memory_space<hbm>> -> memref<5x80xi32, #tpu.memory_space<hbm>>
        %dma_wait3A_200 = arith.constant 0 : i32
        %dma_wait3A_201 = arith.constant 0 : i32
        %dma_wait3A_202 = tpu.memref_slice %arg5[%dma_wait3A_191, %dma_wait3A_200, %dma_wait3A_201] : memref<2x5x80xi32, #tpu.memory_space<vmem>> -> memref<1x5x80xi32, #tpu.memory_space<vmem>>
        %dma_wait3A_203 = tpu.memref_squeeze %dma_wait3A_202 : memref<1x5x80xi32, #tpu.memory_space<vmem>> -> memref<5x80xi32, #tpu.memory_space<vmem>>
        %dma_wait3A_204 = arith.constant 0 : i32
        %dma_wait3A_205 = arith.constant 0 : i32
        %dma_wait3A_206 = tpu.memref_slice %arg2[%dma_wait3A_189, %dma_wait3A_190, %dma_wait3A_204, %dma_wait3A_205] : memref<2x400x5x80xi32, #tpu.memory_space<hbm>> -> memref<1x1x5x80xi32, #tpu.memory_space<hbm>>
        %dma_wait3A_207 = tpu.memref_squeeze %dma_wait3A_206 : memref<1x1x5x80xi32, #tpu.memory_space<hbm>> -> memref<5x80xi32, #tpu.memory_space<hbm>>
        tpu.wait_dma2 semaphore(%arg11 : memref<!tpu.dma_semaphore, #tpu.memory_space<semaphore_mem>>) src(%dma_wait3A_207 : memref<5x80xi32, #tpu.memory_space<hbm>>) dst(%dma_wait3A_203 : memref<5x80xi32, #tpu.memory_space<vmem>>)
        %dma_wait3A_208 = arith.constant 0 : i32
        %dma_wait3A_209 = arith.constant 0 : i32
        %dma_wait3A_210 = arith.constant 0 : i32
        %dma_wait3A_211 = arith.constant 0 : i32
        %dma_wait3A_212 = arith.constant 0 : i32
        %dma_wait3A_213 = tpu.memref_slice %arg6[%dma_wait3A_210, %dma_wait3A_211, %dma_wait3A_212] : memref<2x5x80xi32, #tpu.memory_space<vmem>> -> memref<1x5x80xi32, #tpu.memory_space<vmem>>
        %dma_wait3A_214 = tpu.memref_squeeze %dma_wait3A_213 : memref<1x5x80xi32, #tpu.memory_space<vmem>> -> memref<5x80xi32, #tpu.memory_space<vmem>>
        %dma_wait3A_215 = arith.constant 0 : i32
        %dma_wait3A_216 = arith.constant 0 : i32
        %dma_wait3A_217 = tpu.memref_slice %arg2[%dma_wait3A_208, %dma_wait3A_209, %dma_wait3A_215, %dma_wait3A_216] : memref<2x400x5x80xi32, #tpu.memory_space<hbm>> -> memref<1x1x5x80xi32, #tpu.memory_space<hbm>>
        %dma_wait3A_218 = tpu.memref_squeeze %dma_wait3A_217 : memref<1x1x5x80xi32, #tpu.memory_space<hbm>> -> memref<5x80xi32, #tpu.memory_space<hbm>>
        %dma_wait3A_219 = arith.constant 0 : i32
        %dma_wait3A_220 = arith.constant 0 : i32
        %dma_wait3A_221 = tpu.memref_slice %arg6[%dma_wait3A_210, %dma_wait3A_219, %dma_wait3A_220] : memref<2x5x80xi32, #tpu.memory_space<vmem>> -> memref<1x5x80xi32, #tpu.memory_space<vmem>>
        %dma_wait3A_222 = tpu.memref_squeeze %dma_wait3A_221 : memref<1x5x80xi32, #tpu.memory_space<vmem>> -> memref<5x80xi32, #tpu.memory_space<vmem>>
        %dma_wait3A_223 = arith.constant 0 : i32
        %dma_wait3A_224 = arith.constant 0 : i32
        %dma_wait3A_225 = tpu.memref_slice %arg2[%dma_wait3A_208, %dma_wait3A_209, %dma_wait3A_223, %dma_wait3A_224] : memref<2x400x5x80xi32, #tpu.memory_space<hbm>> -> memref<1x1x5x80xi32, #tpu.memory_space<hbm>>
        %dma_wait3A_226 = tpu.memref_squeeze %dma_wait3A_225 : memref<1x1x5x80xi32, #tpu.memory_space<hbm>> -> memref<5x80xi32, #tpu.memory_space<hbm>>
        tpu.wait_dma2 semaphore(%arg11 : memref<!tpu.dma_semaphore, #tpu.memory_space<semaphore_mem>>) src(%dma_wait3A_226 : memref<5x80xi32, #tpu.memory_space<hbm>>) dst(%dma_wait3A_222 : memref<5x80xi32, #tpu.memory_space<vmem>>)
        %scan3A_227 = arith.constant 0 : i32
        %scan3A_228 = arith.constant 0 : i32
        %scan3A_229 = arith.constant 25 : i32
        %scan3A_230 = arith.addi %scan3A_228, %scan3A_229 : i32
        %scan3A_231 = arith.constant 1 : i32
        scf.for %scan3A_233 = %scan3A_228 to %scan3A_230 step %scan3A_231  : i32 {
          %jit3A_234 = arith.constant 5 : i32
          %div3A_235 = arith.divsi %scan3A_233, %jit3A_234 : i32
          %sign3A_236 = arith.constant 0 : i32
          %sign3A_237 = arith.cmpi sgt, %scan3A_233, %sign3A_236 : i32
          %sign3A_238 = arith.extui %sign3A_237 : i1 to i32
          %sign3A_239 = arith.constant 0 : i32
          %sign3A_240 = arith.cmpi slt, %scan3A_233, %sign3A_239 : i32
          %sign3A_241 = arith.extui %sign3A_240 : i1 to i32
          %sign3A_242 = arith.subi %sign3A_238, %sign3A_241 : i32
          %sign3A_243 = arith.constant 0 : i32
          %sign3A_244 = arith.cmpi sgt, %jit3A_234, %sign3A_243 : i32
          %sign3A_245 = arith.extui %sign3A_244 : i1 to i32
          %sign3A_246 = arith.constant 0 : i32
          %sign3A_247 = arith.cmpi slt, %jit3A_234, %sign3A_246 : i32
          %sign3A_248 = arith.extui %sign3A_247 : i1 to i32
          %sign3A_249 = arith.subi %sign3A_245, %sign3A_248 : i32
          %ne3A_250 = arith.cmpi ne, %sign3A_242, %sign3A_249 : i32
          %rem3A_251 = arith.remsi %scan3A_233, %jit3A_234 : i32
          %ne3A_252 = arith.constant 0 : i32
          %ne3A_253 = arith.cmpi ne, %rem3A_251, %ne3A_252 : i32
          %and3A_254 = arith.andi %ne3A_250, %ne3A_253 : i1
          %sub3A_255 = arith.constant 1 : i32
          %sub3A_256 = arith.subi %div3A_235, %sub3A_255 : i32
          %select_n3A_257 = arith.select %and3A_254, %sub3A_256, %div3A_235 : i32
          %jit3A_258 = arith.constant 5 : i32
          %eq3A_259 = arith.constant 0 : i32
          %eq3A_260 = arith.cmpi eq, %jit3A_258, %eq3A_259 : i32
          %jit3A_261 = arith.constant 1 : i32
          %select_n3A_262 = arith.select %eq3A_260, %jit3A_261, %jit3A_258 : i32
          %rem3A_263 = arith.remsi %scan3A_233, %select_n3A_262 : i32
          %ne3A_264 = arith.constant 0 : i32
          %ne3A_265 = arith.cmpi ne, %rem3A_263, %ne3A_264 : i32
          %lt3A_266 = arith.constant 0 : i32
          %lt3A_267 = arith.cmpi slt, %rem3A_263, %lt3A_266 : i32
          %lt3A_268 = arith.constant 0 : i32
          %lt3A_269 = arith.cmpi slt, %select_n3A_262, %lt3A_268 : i32
          %ne3A_270 = arith.xori %lt3A_267, %lt3A_269 : i1
          %and3A_271 = arith.andi %ne3A_270, %ne3A_265 : i1
          %add3A_272 = arith.addi %rem3A_263, %select_n3A_262 : i32
          %select_n3A_273 = arith.select %and3A_271, %add3A_272, %rem3A_263 : i32
          %mul3A_274 = arith.constant 16 : i32
          %mul3A_275 = arith.muli %select_n3A_273, %mul3A_274 : i32
          %get3A = arith.index_cast %sub3A_137 : i32 to index
          %get3A_276 = arith.index_cast %select_n3A_257 : i32 to index
          %get3A_277 = arith.index_cast %mul3A_275 : i32 to index
          %get3A_278 = tpu.vector_load %arg5[%get3A, %get3A_276, %get3A_277] {strides = array<i32>} : memref<2x5x80xi32, #tpu.memory_space<vmem>>, vector<1x1x16xi32>,
          %get3A_279 = vector.shape_cast %get3A_278 : vector<1x1x16xi32> to vector<16xi32>
          %mul3A_280 = arith.constant 10000 : i32
          %mul3A_281 = arith.muli %arg0, %mul3A_280 : i32
          %add3A_282 = vector.broadcast %mul3A_281 : i32 to vector<16xi32>
          %add3A_283 = arith.addi %get3A_279, %add3A_282 : vector<16xi32>
          %mul3A_284 = arith.constant 16 : i32
          %mul3A_285 = arith.muli %select_n3A_273, %mul3A_284 : i32
          %swap3A = arith.index_cast %sub3A_137 : i32 to index
          %swap3A_286 = arith.index_cast %select_n3A_257 : i32 to index
          %swap3A_287 = arith.index_cast %mul3A_285 : i32 to index
          %swap3A_288 = tpu.vector_load %arg5[%swap3A, %swap3A_286, %swap3A_287] {strides = array<i32>} : memref<2x5x80xi32, #tpu.memory_space<vmem>>, vector<1x1x16xi32>,
          %swap3A_289 = vector.shape_cast %swap3A_288 : vector<1x1x16xi32> to vector<16xi32>
          %swap3A_290 = vector.shape_cast %add3A_283 : vector<16xi32> to vector<1x1x16xi32>
          tpu.vector_store %arg5[%swap3A, %swap3A_286, %swap3A_287], %swap3A_290 {strides = array<i32>} : memref<2x5x80xi32, #tpu.memory_space<vmem>>, vector<1x1x16xi32>,
        }
        %scan3A_232 = arith.constant 25 : i32
      } else {
      }
      %add3A_154 = arith.constant 2 : i32
      %add3A_155 = arith.addi %scan3A_112, %add3A_154 : i32
      %lt3A_156 = arith.constant 125 : i32
      %lt3A_157 = arith.cmpi slt, %add3A_155, %lt3A_156 : i32
      %convert_element_type3A_158 = arith.extui %lt3A_157 : i1 to i32
      %cond3A_159 = arith.constant 0 : i32
      %cond3A_160 = arith.cmpi ne, %convert_element_type3A_158, %cond3A_159 : i32
      scf.if %cond3A_160 {
        %ge3A = arith.constant 1 : i32
        %ge3A_189 = arith.cmpi sge, %scan3A_112, %ge3A : i32
        %convert_element_type3A_190 = arith.extui %ge3A_189 : i1 to i32
        %cond3A_191 = arith.constant 0 : i32
        %cond3A_192 = arith.cmpi ne, %convert_element_type3A_190, %cond3A_191 : i32
        scf.if %cond3A_192 {
          %dma_wait3A_236 = arith.constant 0 : i32
          %dma_wait3A_237 = arith.constant 0 : i32
          %dma_wait3A_238 = arith.constant 0 : i32
          %dma_wait3A_239 = tpu.memref_slice %arg7[%dma_wait3A_236, %dma_wait3A_237, %dma_wait3A_238] : memref<3x80x128xf32, #tpu.memory_space<vmem>> -> memref<1x80x128xf32, #tpu.memory_space<vmem>>
          %dma_wait3A_240 = tpu.memref_squeeze %dma_wait3A_239 : memref<1x80x128xf32, #tpu.memory_space<vmem>> -> memref<80x128xf32, #tpu.memory_space<vmem>>
          %dma_wait3A_241 = arith.constant 0 : i32
          %dma_wait3A_242 = arith.constant 0 : i32
          %dma_wait3A_243 = tpu.memref_slice %arg8[%dma_wait3A_241, %dma_wait3A_242] : memref<10240x128xf32, #tpu.memory_space<vmem_shared>> -> memref<80x128xf32, #tpu.memory_space<vmem_shared>>
          %dma_wait3A_244 = arith.constant 0 : i32
          %dma_wait3A_245 = arith.constant 0 : i32
          %dma_wait3A_246 = tpu.memref_slice %arg8[%dma_wait3A_244, %dma_wait3A_245] : memref<10240x128xf32, #tpu.memory_space<vmem_shared>> -> memref<80x128xf32, #tpu.memory_space<vmem_shared>>
          %dma_wait3A_247 = arith.constant 0 : i32
          %dma_wait3A_248 = arith.constant 0 : i32
          %dma_wait3A_249 = tpu.memref_slice %arg7[%dma_wait3A_236, %dma_wait3A_247, %dma_wait3A_248] : memref<3x80x128xf32, #tpu.memory_space<vmem>> -> memref<1x80x128xf32, #tpu.memory_space<vmem>>
          %dma_wait3A_250 = tpu.memref_squeeze %dma_wait3A_249 : memref<1x80x128xf32, #tpu.memory_space<vmem>> -> memref<80x128xf32, #tpu.memory_space<vmem>>
          tpu.wait_dma2 semaphore(%arg10 : memref<!tpu.dma_semaphore, #tpu.memory_space<semaphore_mem>>) src(%dma_wait3A_250 : memref<80x128xf32, #tpu.memory_space<vmem>>) dst(%dma_wait3A_246 : memref<80x128xf32, #tpu.memory_space<vmem_shared>>)
        } else {
        }
        %add3A_193 = arith.constant 2 : i32
        %add3A_194 = arith.addi %scan3A_112, %add3A_193 : i32
        %jit3A_195 = arith.constant 5 : i32
        %div3A_196 = arith.divsi %add3A_194, %jit3A_195 : i32
        %sign3A_197 = arith.constant 0 : i32
        %sign3A_198 = arith.cmpi sgt, %add3A_194, %sign3A_197 : i32
        %sign3A_199 = arith.extui %sign3A_198 : i1 to i32
        %sign3A_200 = arith.constant 0 : i32
        %sign3A_201 = arith.cmpi slt, %add3A_194, %sign3A_200 : i32
        %sign3A_202 = arith.extui %sign3A_201 : i1 to i32
        %sign3A_203 = arith.subi %sign3A_199, %sign3A_202 : i32
        %sign3A_204 = arith.constant 0 : i32
        %sign3A_205 = arith.cmpi sgt, %jit3A_195, %sign3A_204 : i32
        %sign3A_206 = arith.extui %sign3A_205 : i1 to i32
        %sign3A_207 = arith.constant 0 : i32
        %sign3A_208 = arith.cmpi slt, %jit3A_195, %sign3A_207 : i32
        %sign3A_209 = arith.extui %sign3A_208 : i1 to i32
        %sign3A_210 = arith.subi %sign3A_206, %sign3A_209 : i32
        %ne3A_211 = arith.cmpi ne, %sign3A_203, %sign3A_210 : i32
        %rem3A_212 = arith.remsi %add3A_194, %jit3A_195 : i32
        %ne3A_213 = arith.constant 0 : i32
        %ne3A_214 = arith.cmpi ne, %rem3A_212, %ne3A_213 : i32
        %and3A_215 = arith.andi %ne3A_211, %ne3A_214 : i1
        %sub3A_216 = arith.constant 1 : i32
        %sub3A_217 = arith.subi %div3A_196, %sub3A_216 : i32
        %select_n3A_218 = arith.select %and3A_215, %sub3A_217, %div3A_196 : i32
        %rem3A_219 = arith.constant 2 : i32
        %rem3A_220 = arith.remsi %select_n3A_218, %rem3A_219 : i32
        %mul3A_221 = arith.constant 5 : i32
        %mul3A_222 = arith.muli %select_n3A_218, %mul3A_221 : i32
        %sub3A_223 = arith.subi %add3A_194, %mul3A_222 : i32
        %rem3A_224 = arith.constant 3 : i32
        %rem3A_225 = arith.remsi %add3A_194, %rem3A_224 : i32
        %dma_start3A_226 = arith.constant 0 : i32
        %dma_start3A_227 = arith.constant 0 : i32
        %dma_start3A_228 = tpu.memref_slice %arg7[%rem3A_225, %dma_start3A_226, %dma_start3A_227] : memref<3x80x128xf32, #tpu.memory_space<vmem>> -> memref<1x80x128xf32, #tpu.memory_space<vmem>>
        %dma_start3A_229 = tpu.memref_squeeze %dma_start3A_228 : memref<1x80x128xf32, #tpu.memory_space<vmem>> -> memref<80x128xf32, #tpu.memory_space<vmem>>
        %dma_start3A_230 = arith.constant 0 : i32
        %dma_start3A_231 = tpu.memref_slice %arg5[%rem3A_220, %sub3A_223, %dma_start3A_230] : memref<2x5x80xi32, #tpu.memory_space<vmem>> -> memref<1x1x80xi32, #tpu.memory_space<vmem>>
        %dma_start3A_232 = tpu.memref_squeeze %dma_start3A_231 : memref<1x1x80xi32, #tpu.memory_space<vmem>> -> memref<80xi32, #tpu.memory_space<vmem>>
        %dma_start3A_233 = arith.constant 0 : i32
        %dma_start3A_234 = arith.constant 0 : i32
        %dma_start3A_235 = tpu.memref_slice %arg3[%dma_start3A_233, %dma_start3A_234] : memref<20000x128xf32, #tpu.memory_space<hbm>> -> memref<20000x128xf32, #tpu.memory_space<hbm>>
        tpu.enqueue_indirect_dma source(%dma_start3A_235 : memref<20000x128xf32, #tpu.memory_space<hbm>>) target(%dma_start3A_229 : memref<80x128xf32, #tpu.memory_space<vmem>>) offsets(%dma_start3A_232 : memref<80xi32, #tpu.memory_space<vmem>>) semaphore(%arg9 : memref<!tpu.dma_semaphore, #tpu.memory_space<semaphore_mem>>)
      } else {
      }
      %rem3A_161 = arith.constant 3 : i32
      %rem3A_162 = arith.remsi %scan3A_112, %rem3A_161 : i32
      %dma_wait3A_163 = arith.constant 0 : i32
      %dma_wait3A_164 = arith.constant 0 : i32
      %dma_wait3A_165 = tpu.memref_slice %arg7[%rem3A_162, %dma_wait3A_163, %dma_wait3A_164] : memref<3x80x128xf32, #tpu.memory_space<vmem>> -> memref<1x80x128xf32, #tpu.memory_space<vmem>>
      %dma_wait3A_166 = tpu.memref_squeeze %dma_wait3A_165 : memref<1x80x128xf32, #tpu.memory_space<vmem>> -> memref<80x128xf32, #tpu.memory_space<vmem>>
      %dma_wait3A_167 = arith.constant 0 : i32
      %dma_wait3A_168 = arith.constant 0 : i32
      %dma_wait3A_169 = tpu.memref_slice %arg3[%dma_wait3A_167, %dma_wait3A_168] : memref<20000x128xf32, #tpu.memory_space<hbm>> -> memref<80x128xf32, #tpu.memory_space<hbm>>
      %dma_wait3A_170 = arith.constant 0 : i32
      %dma_wait3A_171 = arith.constant 0 : i32
      %dma_wait3A_172 = tpu.memref_slice %arg7[%rem3A_162, %dma_wait3A_170, %dma_wait3A_171] : memref<3x80x128xf32, #tpu.memory_space<vmem>> -> memref<1x80x128xf32, #tpu.memory_space<vmem>>
      %dma_wait3A_173 = tpu.memref_squeeze %dma_wait3A_172 : memref<1x80x128xf32, #tpu.memory_space<vmem>> -> memref<80x128xf32, #tpu.memory_space<vmem>>
      %dma_wait3A_174 = arith.constant 0 : i32
      %dma_wait3A_175 = arith.constant 0 : i32
      %dma_wait3A_176 = tpu.memref_slice %arg3[%dma_wait3A_174, %dma_wait3A_175] : memref<20000x128xf32, #tpu.memory_space<hbm>> -> memref<80x128xf32, #tpu.memory_space<hbm>>
      tpu.wait_dma2 semaphore(%arg9 : memref<!tpu.dma_semaphore, #tpu.memory_space<semaphore_mem>>) src(%dma_wait3A_176 : memref<80x128xf32, #tpu.memory_space<hbm>>) dst(%dma_wait3A_173 : memref<80x128xf32, #tpu.memory_space<vmem>>)
      %rem3A_177 = arith.constant 3 : i32
      %rem3A_178 = arith.remsi %scan3A_112, %rem3A_177 : i32
      %dma_start3A_179 = arith.constant 0 : i32
      %dma_start3A_180 = arith.constant 0 : i32
      %dma_start3A_181 = tpu.memref_slice %arg7[%rem3A_178, %dma_start3A_179, %dma_start3A_180] : memref<3x80x128xf32, #tpu.memory_space<vmem>> -> memref<1x80x128xf32, #tpu.memory_space<vmem>>
      %dma_start3A_182 = tpu.memref_squeeze %dma_start3A_181 : memref<1x80x128xf32, #tpu.memory_space<vmem>> -> memref<80x128xf32, #tpu.memory_space<vmem>>
      %dma_start3A_183 = arith.constant 0 : i32
      %dma_start3A_184 = tpu.memref_slice %arg6[%rem3A_135, %sub3A_133, %dma_start3A_183] : memref<2x5x80xi32, #tpu.memory_space<vmem>> -> memref<1x1x80xi32, #tpu.memory_space<vmem>>
      %dma_start3A_185 = tpu.memref_squeeze %dma_start3A_184 : memref<1x1x80xi32, #tpu.memory_space<vmem>> -> memref<80xi32, #tpu.memory_space<vmem>>
      %dma_start3A_186 = arith.constant 0 : i32
      %dma_start3A_187 = arith.constant 0 : i32
      %dma_start3A_188 = tpu.memref_slice %arg8[%dma_start3A_186, %dma_start3A_187] : memref<10240x128xf32, #tpu.memory_space<vmem_shared>> -> memref<10240x128xf32, #tpu.memory_space<vmem_shared>>
      tpu.enqueue_indirect_dma source(%dma_start3A_182 : memref<80x128xf32, #tpu.memory_space<vmem>>) target(%dma_start3A_188 : memref<10240x128xf32, #tpu.memory_space<vmem_shared>>) offsets(%dma_start3A_185 : memref<80xi32, #tpu.memory_space<vmem>>) semaphore(%arg10 : memref<!tpu.dma_semaphore, #tpu.memory_space<semaphore_mem>>) {add = true}
    }
    %scan3A_62 = arith.constant 125 : i32
    %dma_wait3A = arith.constant 0 : i32
    %dma_wait3A_63 = arith.constant 0 : i32
    %dma_wait3A_64 = arith.constant 0 : i32
    %dma_wait3A_65 = tpu.memref_slice %arg7[%dma_wait3A, %dma_wait3A_63, %dma_wait3A_64] : memref<3x80x128xf32, #tpu.memory_space<vmem>> -> memref<1x80x128xf32, #tpu.memory_space<vmem>>
    %dma_wait3A_66 = tpu.memref_squeeze %dma_wait3A_65 : memref<1x80x128xf32, #tpu.memory_space<vmem>> -> memref<80x128xf32, #tpu.memory_space<vmem>>
    %dma_wait3A_67 = arith.constant 0 : i32
    %dma_wait3A_68 = arith.constant 0 : i32
    %dma_wait3A_69 = tpu.memref_slice %arg8[%dma_wait3A_67, %dma_wait3A_68] : memref<10240x128xf32, #tpu.memory_space<vmem_shared>> -> memref<80x128xf32, #tpu.memory_space<vmem_shared>>
    %dma_wait3A_70 = arith.constant 0 : i32
    %dma_wait3A_71 = arith.constant 0 : i32
    %dma_wait3A_72 = tpu.memref_slice %arg8[%dma_wait3A_70, %dma_wait3A_71] : memref<10240x128xf32, #tpu.memory_space<vmem_shared>> -> memref<80x128xf32, #tpu.memory_space<vmem_shared>>
    %dma_wait3A_73 = arith.constant 0 : i32
    %dma_wait3A_74 = arith.constant 0 : i32
    %dma_wait3A_75 = tpu.memref_slice %arg7[%dma_wait3A, %dma_wait3A_73, %dma_wait3A_74] : memref<3x80x128xf32, #tpu.memory_space<vmem>> -> memref<1x80x128xf32, #tpu.memory_space<vmem>>
    %dma_wait3A_76 = tpu.memref_squeeze %dma_wait3A_75 : memref<1x80x128xf32, #tpu.memory_space<vmem>> -> memref<80x128xf32, #tpu.memory_space<vmem>>
    tpu.wait_dma2 semaphore(%arg10 : memref<!tpu.dma_semaphore, #tpu.memory_space<semaphore_mem>>) src(%dma_wait3A_76 : memref<80x128xf32, #tpu.memory_space<vmem>>) dst(%dma_wait3A_72 : memref<80x128xf32, #tpu.memory_space<vmem_shared>>)
    %dma_wait3A_77 = arith.constant 0 : i32
    %dma_wait3A_78 = arith.constant 0 : i32
    %dma_wait3A_79 = arith.constant 0 : i32
    %dma_wait3A_80 = tpu.memref_slice %arg7[%dma_wait3A_77, %dma_wait3A_78, %dma_wait3A_79] : memref<3x80x128xf32, #tpu.memory_space<vmem>> -> memref<1x80x128xf32, #tpu.memory_space<vmem>>
    %dma_wait3A_81 = tpu.memref_squeeze %dma_wait3A_80 : memref<1x80x128xf32, #tpu.memory_space<vmem>> -> memref<80x128xf32, #tpu.memory_space<vmem>>
    %dma_wait3A_82 = arith.constant 0 : i32
    %dma_wait3A_83 = arith.constant 0 : i32
    %dma_wait3A_84 = tpu.memref_slice %arg8[%dma_wait3A_82, %dma_wait3A_83] : memref<10240x128xf32, #tpu.memory_space<vmem_shared>> -> memref<80x128xf32, #tpu.memory_space<vmem_shared>>
    %dma_wait3A_85 = arith.constant 0 : i32
    %dma_wait3A_86 = arith.constant 0 : i32
    %dma_wait3A_87 = tpu.memref_slice %arg8[%dma_wait3A_85, %dma_wait3A_86] : memref<10240x128xf32, #tpu.memory_space<vmem_shared>> -> memref<80x128xf32, #tpu.memory_space<vmem_shared>>
    %dma_wait3A_88 = arith.constant 0 : i32
    %dma_wait3A_89 = arith.constant 0 : i32
    %dma_wait3A_90 = tpu.memref_slice %arg7[%dma_wait3A_77, %dma_wait3A_88, %dma_wait3A_89] : memref<3x80x128xf32, #tpu.memory_space<vmem>> -> memref<1x80x128xf32, #tpu.memory_space<vmem>>
    %dma_wait3A_91 = tpu.memref_squeeze %dma_wait3A_90 : memref<1x80x128xf32, #tpu.memory_space<vmem>> -> memref<80x128xf32, #tpu.memory_space<vmem>>
    tpu.wait_dma2 semaphore(%arg10 : memref<!tpu.dma_semaphore, #tpu.memory_space<semaphore_mem>>) src(%dma_wait3A_91 : memref<80x128xf32, #tpu.memory_space<vmem>>) dst(%dma_wait3A_87 : memref<80x128xf32, #tpu.memory_space<vmem_shared>>)
    %dma_wait3A_92 = arith.constant 0 : i32
    %dma_wait3A_93 = arith.constant 0 : i32
    %dma_wait3A_94 = arith.constant 0 : i32
    %dma_wait3A_95 = tpu.memref_slice %arg7[%dma_wait3A_92, %dma_wait3A_93, %dma_wait3A_94] : memref<3x80x128xf32, #tpu.memory_space<vmem>> -> memref<1x80x128xf32, #tpu.memory_space<vmem>>
    %dma_wait3A_96 = tpu.memref_squeeze %dma_wait3A_95 : memref<1x80x128xf32, #tpu.memory_space<vmem>> -> memref<80x128xf32, #tpu.memory_space<vmem>>
    %dma_wait3A_97 = arith.constant 0 : i32
    %dma_wait3A_98 = arith.constant 0 : i32
    %dma_wait3A_99 = tpu.memref_slice %arg8[%dma_wait3A_97, %dma_wait3A_98] : memref<10240x128xf32, #tpu.memory_space<vmem_shared>> -> memref<80x128xf32, #tpu.memory_space<vmem_shared>>
    %dma_wait3A_100 = arith.constant 0 : i32
    %dma_wait3A_101 = arith.constant 0 : i32
    %dma_wait3A_102 = tpu.memref_slice %arg8[%dma_wait3A_100, %dma_wait3A_101] : memref<10240x128xf32, #tpu.memory_space<vmem_shared>> -> memref<80x128xf32, #tpu.memory_space<vmem_shared>>
    %dma_wait3A_103 = arith.constant 0 : i32
    %dma_wait3A_104 = arith.constant 0 : i32
    %dma_wait3A_105 = tpu.memref_slice %arg7[%dma_wait3A_92, %dma_wait3A_103, %dma_wait3A_104] : memref<3x80x128xf32, #tpu.memory_space<vmem>> -> memref<1x80x128xf32, #tpu.memory_space<vmem>>
    %dma_wait3A_106 = tpu.memref_squeeze %dma_wait3A_105 : memref<1x80x128xf32, #tpu.memory_space<vmem>> -> memref<80x128xf32, #tpu.memory_space<vmem>>
    tpu.wait_dma2 semaphore(%arg10 : memref<!tpu.dma_semaphore, #tpu.memory_space<semaphore_mem>>) src(%dma_wait3A_106 : memref<80x128xf32, #tpu.memory_space<vmem>>) dst(%dma_wait3A_102 : memref<80x128xf32, #tpu.memory_space<vmem_shared>>)
    %barrier3A_107 = arith.constant 0 : index
    tpu.barrier barrier_id(%barrier3A_107)
    %mul3A_108 = arith.constant 640 : i32
    %mul3A_109 = arith.muli %arg1, %mul3A_108 : i32
    %mul3A_110 = arith.constant 640 : i32
    %mul3A_111 = arith.muli %arg1, %mul3A_110 : i32
    "tpu.region"() ({
      %run_scoped3A_112 = tpu.sem_alloc : memref<!tpu.dma_semaphore, #tpu.memory_space<semaphore_mem>>
      %dma_start3A_113 = arith.constant 0 : i32
      %dma_start3A_114 = tpu.memref_slice %arg4[%arg0, %mul3A_111, %dma_start3A_113] : memref<2x10240x128xf32, #tpu.memory_space<hbm>> -> memref<1x640x128xf32, #tpu.memory_space<hbm>>
      %dma_start3A_115 = tpu.memref_squeeze %dma_start3A_114 : memref<1x640x128xf32, #tpu.memory_space<hbm>> -> memref<640x128xf32, #tpu.memory_space<hbm>>
      %dma_start3A_116 = arith.constant 0 : i32
      %dma_start3A_117 = tpu.memref_slice %arg8[%mul3A_109, %dma_start3A_116] : memref<10240x128xf32, #tpu.memory_space<vmem_shared>> -> memref<640x128xf32, #tpu.memory_space<vmem_shared>>
      tpu.enqueue_dma source(%dma_start3A_117 : memref<640x128xf32, #tpu.memory_space<vmem_shared>>) target(%dma_start3A_115 : memref<640x128xf32, #tpu.memory_space<hbm>>) target_semaphore(%run_scoped3A_112 : memref<!tpu.dma_semaphore, #tpu.memory_space<semaphore_mem>>)
      %dma_wait3A_118 = arith.constant 0 : i32
      %dma_wait3A_119 = tpu.memref_slice %arg4[%arg0, %mul3A_111, %dma_wait3A_118] : memref<2x10240x128xf32, #tpu.memory_space<hbm>> -> memref<1x640x128xf32, #tpu.memory_space<hbm>>
      %dma_wait3A_120 = tpu.memref_squeeze %dma_wait3A_119 : memref<1x640x128xf32, #tpu.memory_space<hbm>> -> memref<640x128xf32, #tpu.memory_space<hbm>>
      %dma_wait3A_121 = arith.constant 0 : i32
      %dma_wait3A_122 = tpu.memref_slice %arg8[%mul3A_109, %dma_wait3A_121] : memref<10240x128xf32, #tpu.memory_space<vmem_shared>> -> memref<640x128xf32, #tpu.memory_space<vmem_shared>>
      tpu.wait_dma2 semaphore(%run_scoped3A_112 : memref<!tpu.dma_semaphore, #tpu.memory_space<semaphore_mem>>) src(%dma_wait3A_122 : memref<640x128xf32, #tpu.memory_space<vmem_shared>>) dst(%dma_wait3A_120 : memref<640x128xf32, #tpu.memory_space<hbm>>)
      tpu.yield
    }) : () -> ()
    return
  }
}

module attributes {stable_mosaic.version = 14 : i64} {
  func.func @_mmbn_body(%arg0: i32, %arg1: i32, %arg2: memref<1x2000x128xf32, #tpu.memory_space<vmem>>, %arg3: memref<1x2000x128xf32, #tpu.memory_space<vmem>>, %arg4: memref<2000x1xf32, #tpu.memory_space<vmem>>, %arg5: memref<256x256xf32, #tpu.memory_space<vmem>>, %arg6: memref<1x256xf32, #tpu.memory_space<vmem>>, %arg7: memref<1x256xf32, #tpu.memory_space<vmem>>, %arg8: memref<2000x256xf32, #tpu.memory_space<vmem>>, %arg9: memref<10000x256xf32, #tpu.memory_space<vmem>>, %arg10: memref<1x256xf32, #tpu.memory_space<vmem>>, %arg11: memref<1x256xf32, #tpu.memory_space<vmem>>) attributes {dimension_semantics = [#tpu.dimension_semantics<arbitrary>, #tpu.dimension_semantics<arbitrary>], iteration_bounds = array<i64: 2, 5>, scalar_prefetch = 0 : i64, scratch_operands = 3 : i64, tpu.core_type = #tpu.core_type<tc>, window_params = [{transform_indices = @transform_0, window_bounds = array<i64: 1, 2000, 128>}, {transform_indices = @transform_1, window_bounds = array<i64: 1, 2000, 128>}, {transform_indices = @transform_2, window_bounds = array<i64: 2000, 1>}, {pipeline_mode = #tpu.pipeline_mode<synchronous>, transform_indices = @transform_3, window_bounds = array<i64: 256, 256>}, {pipeline_mode = #tpu.pipeline_mode<synchronous>, transform_indices = @transform_4, window_bounds = array<i64: 1, 256>}, {pipeline_mode = #tpu.pipeline_mode<synchronous>, transform_indices = @transform_5, window_bounds = array<i64: 1, 256>}, {transform_indices = @transform_6, window_bounds = array<i64: 2000, 256>}]} {
    %eq3A = arith.constant 0 : i32
    %eq3A_0 = arith.cmpi eq, %arg0, %eq3A : i32
    %convert_element_type3A = arith.extui %eq3A_0 : i1 to i32
    %cond3A = arith.constant 0 : i32
    %cond3A_1 = arith.cmpi ne, %convert_element_type3A, %cond3A : i32
    scf.if %cond3A_1 {
      %get3A = arith.constant 0 : index
      %get3A_7 = arith.constant 0 : index
      %get3A_8 = arith.constant 0 : index
      %get3A_9 = vector.load %arg2[%get3A, %get3A_7, %get3A_8] : memref<1x2000x128xf32, #tpu.memory_space<vmem>>, vector<1x2000x128xf32>
      %get3A_10 = vector.shape_cast %get3A_9 : vector<1x2000x128xf32> to vector<2000x128xf32>
      %get3A_11 = arith.constant 0 : index
      %get3A_12 = arith.constant 0 : index
      %get3A_13 = arith.constant 0 : index
      %get3A_14 = vector.load %arg3[%get3A_11, %get3A_12, %get3A_13] : memref<1x2000x128xf32, #tpu.memory_space<vmem>>, vector<1x2000x128xf32>
      %get3A_15 = vector.shape_cast %get3A_14 : vector<1x2000x128xf32> to vector<2000x128xf32>
      %concatenate3A = tpu.concatenate %get3A_10, %get3A_15 in 1 : vector<2000x128xf32>, vector<2000x128xf32> -> vector<2000x256xf32>
      %get3A_16 = arith.constant 0 : index
      %get3A_17 = arith.constant 0 : index
      %get3A_18 = vector.load %arg4[%get3A_16, %get3A_17] : memref<2000x1xf32, #tpu.memory_space<vmem>>, vector<2000x1xf32>
      %mul3A = vector.broadcast %get3A_18 : vector<2000x1xf32> to vector<2000x256xf32>
      %mul3A_19 = arith.mulf %concatenate3A, %mul3A : vector<2000x256xf32>
      %get3A_20 = arith.constant 0 : index
      %get3A_21 = arith.constant 0 : index
      %get3A_22 = vector.load %arg5[%get3A_20, %get3A_21] : memref<256x256xf32, #tpu.memory_space<vmem>>, vector<256x256xf32>
      %dot_general3A = arith.constant dense<0.000000e+00> : vector<2000x256xf32>
      %dot_general3A_23 = tpu.matmul %mul3A_19, %get3A_22, %dot_general3A {dimension_numbers = #tpu.dot_dimension_numbers<[1], [0], [0], [1], [0, 0, 1, 1], [], []>, transpose_lhs_hint = false} : vector<2000x256xf32>, vector<256x256xf32>, vector<2000x256xf32> -> vector<2000x256xf32>
      %mul3A_24 = arith.constant 2000 : i32
      %mul3A_25 = arith.muli %arg1, %mul3A_24 : i32
      %swap3A = arith.index_cast %mul3A_25 : i32 to index
      %swap3A_26 = arith.constant 0 : index
      %swap3A_27 = vector.load %arg9[%swap3A, %swap3A_26] : memref<10000x256xf32, #tpu.memory_space<vmem>>, vector<2000x256xf32>
      tpu.vector_store %arg9[%swap3A, %swap3A_26], %dot_general3A_23 {strides = array<i32>} : memref<10000x256xf32, #tpu.memory_space<vmem>>, vector<2000x256xf32>,
      %reduce_sum3A = arith.constant dense<0.000000e+00> : vector<256xf32>
      %reduce_sum3A_28 = vector.multi_reduction <add>, %dot_general3A_23, %reduce_sum3A [0] : vector<2000x256xf32> to vector<256xf32>
      %broadcast_in_dim3A = vector.shape_cast %reduce_sum3A_28 : vector<256xf32> to vector<1x256xf32>
      %mul3A_29 = arith.mulf %dot_general3A_23, %dot_general3A_23 : vector<2000x256xf32>
      %reduce_sum3A_30 = arith.constant dense<0.000000e+00> : vector<256xf32>
      %reduce_sum3A_31 = vector.multi_reduction <add>, %mul3A_29, %reduce_sum3A_30 [0] : vector<2000x256xf32> to vector<256xf32>
      %broadcast_in_dim3A_32 = vector.shape_cast %reduce_sum3A_31 : vector<256xf32> to vector<1x256xf32>
      %eq3A_33 = arith.constant 0 : i32
      %eq3A_34 = arith.cmpi eq, %arg1, %eq3A_33 : i32
      %convert_element_type3A_35 = arith.extui %eq3A_34 : i1 to i32
      %cond3A_36 = arith.constant 0 : i32
      %cond3A_37 = arith.cmpi ne, %convert_element_type3A_35, %cond3A_36 : i32
      scf.if %cond3A_37 {
        %swap3A_42 = arith.constant 0 : index
        %swap3A_43 = arith.constant 0 : index
        %swap3A_44 = vector.load %arg10[%swap3A_42, %swap3A_43] : memref<1x256xf32, #tpu.memory_space<vmem>>, vector<1x256xf32>
        tpu.vector_store %arg10[%swap3A_42, %swap3A_43], %broadcast_in_dim3A {strides = array<i32>} : memref<1x256xf32, #tpu.memory_space<vmem>>, vector<1x256xf32>,
        %swap3A_45 = arith.constant 0 : index
        %swap3A_46 = arith.constant 0 : index
        %swap3A_47 = vector.load %arg11[%swap3A_45, %swap3A_46] : memref<1x256xf32, #tpu.memory_space<vmem>>, vector<1x256xf32>
        tpu.vector_store %arg11[%swap3A_45, %swap3A_46], %broadcast_in_dim3A_32 {strides = array<i32>} : memref<1x256xf32, #tpu.memory_space<vmem>>, vector<1x256xf32>,
      } else {
      }
      %ne3A = arith.constant 0 : i32
      %ne3A_38 = arith.cmpi ne, %arg1, %ne3A : i32
      %convert_element_type3A_39 = arith.extui %ne3A_38 : i1 to i32
      %cond3A_40 = arith.constant 0 : i32
      %cond3A_41 = arith.cmpi ne, %convert_element_type3A_39, %cond3A_40 : i32
      scf.if %cond3A_41 {
        %get3A_42 = arith.constant 0 : index
        %get3A_43 = arith.constant 0 : index
        %get3A_44 = vector.load %arg10[%get3A_42, %get3A_43] : memref<1x256xf32, #tpu.memory_space<vmem>>, vector<1x256xf32>
        %add3A = arith.addf %get3A_44, %broadcast_in_dim3A : vector<1x256xf32>
        %swap3A_45 = arith.constant 0 : index
        %swap3A_46 = arith.constant 0 : index
        %swap3A_47 = vector.load %arg10[%swap3A_45, %swap3A_46] : memref<1x256xf32, #tpu.memory_space<vmem>>, vector<1x256xf32>
        tpu.vector_store %arg10[%swap3A_45, %swap3A_46], %add3A {strides = array<i32>} : memref<1x256xf32, #tpu.memory_space<vmem>>, vector<1x256xf32>,
        %get3A_48 = arith.constant 0 : index
        %get3A_49 = arith.constant 0 : index
        %get3A_50 = vector.load %arg11[%get3A_48, %get3A_49] : memref<1x256xf32, #tpu.memory_space<vmem>>, vector<1x256xf32>
        %add3A_51 = arith.addf %get3A_50, %broadcast_in_dim3A_32 : vector<1x256xf32>
        %swap3A_52 = arith.constant 0 : index
        %swap3A_53 = arith.constant 0 : index
        %swap3A_54 = vector.load %arg11[%swap3A_52, %swap3A_53] : memref<1x256xf32, #tpu.memory_space<vmem>>, vector<1x256xf32>
        tpu.vector_store %arg11[%swap3A_52, %swap3A_53], %add3A_51 {strides = array<i32>} : memref<1x256xf32, #tpu.memory_space<vmem>>, vector<1x256xf32>,
      } else {
      }
    } else {
    }
    %eq3A_2 = arith.constant 1 : i32
    %eq3A_3 = arith.cmpi eq, %arg0, %eq3A_2 : i32
    %convert_element_type3A_4 = arith.extui %eq3A_3 : i1 to i32
    %cond3A_5 = arith.constant 0 : i32
    %cond3A_6 = arith.cmpi ne, %convert_element_type3A_4, %cond3A_5 : i32
    scf.if %cond3A_6 {
      %get3A = arith.constant 0 : index
      %get3A_7 = arith.constant 0 : index
      %get3A_8 = vector.load %arg10[%get3A, %get3A_7] : memref<1x256xf32, #tpu.memory_space<vmem>>, vector<1x256xf32>
      %mul3A = arith.constant 9.99999974E-5 : f32
      %mul3A_9 = vector.broadcast %mul3A : f32 to vector<1x256xf32>
      %mul3A_10 = arith.mulf %get3A_8, %mul3A_9 : vector<1x256xf32>
      %get3A_11 = arith.constant 0 : index
      %get3A_12 = arith.constant 0 : index
      %get3A_13 = vector.load %arg11[%get3A_11, %get3A_12] : memref<1x256xf32, #tpu.memory_space<vmem>>, vector<1x256xf32>
      %mul3A_14 = arith.constant 9.99999974E-5 : f32
      %mul3A_15 = vector.broadcast %mul3A_14 : f32 to vector<1x256xf32>
      %mul3A_16 = arith.mulf %get3A_13, %mul3A_15 : vector<1x256xf32>
      %mul3A_17 = arith.mulf %mul3A_10, %mul3A_10 : vector<1x256xf32>
      %sub3A = arith.subf %mul3A_16, %mul3A_17 : vector<1x256xf32>
      %get3A_18 = arith.constant 0 : index
      %get3A_19 = arith.constant 0 : index
      %get3A_20 = vector.load %arg6[%get3A_18, %get3A_19] : memref<1x256xf32, #tpu.memory_space<vmem>>, vector<1x256xf32>
      %add3A = arith.constant 9.99999974E-6 : f32
      %add3A_21 = vector.broadcast %add3A : f32 to vector<1x256xf32>
      %add3A_22 = arith.addf %sub3A, %add3A_21 : vector<1x256xf32>
      %rsqrt3A = math.rsqrt %add3A_22 : vector<1x256xf32>
      %mul3A_23 = arith.mulf %get3A_20, %rsqrt3A : vector<1x256xf32>
      %get3A_24 = arith.constant 0 : index
      %get3A_25 = arith.constant 0 : index
      %get3A_26 = vector.load %arg7[%get3A_24, %get3A_25] : memref<1x256xf32, #tpu.memory_space<vmem>>, vector<1x256xf32>
      %mul3A_27 = arith.mulf %mul3A_10, %mul3A_23 : vector<1x256xf32>
      %sub3A_28 = arith.subf %get3A_26, %mul3A_27 : vector<1x256xf32>
      %mul3A_29 = arith.constant 2000 : i32
      %mul3A_30 = arith.muli %arg1, %mul3A_29 : i32
      %get3A_31 = arith.index_cast %mul3A_30 : i32 to index
      %get3A_32 = arith.constant 0 : index
      %get3A_33 = vector.load %arg9[%get3A_31, %get3A_32] : memref<10000x256xf32, #tpu.memory_space<vmem>>, vector<2000x256xf32>
      %mul3A_34 = vector.broadcast %mul3A_23 : vector<1x256xf32> to vector<2000x256xf32>
      %mul3A_35 = arith.mulf %get3A_33, %mul3A_34 : vector<2000x256xf32>
      %add3A_36 = vector.broadcast %sub3A_28 : vector<1x256xf32> to vector<2000x256xf32>
      %add3A_37 = arith.addf %mul3A_35, %add3A_36 : vector<2000x256xf32>
      %max3A = arith.constant 0.000000e+00 : f32
      %max3A_38 = vector.broadcast %max3A : f32 to vector<2000x256xf32>
      %max3A_39 = arith.maximumf %add3A_37, %max3A_38 : vector<2000x256xf32>
      %swap3A = arith.constant 0 : index
      %swap3A_40 = arith.constant 0 : index
      %swap3A_41 = vector.load %arg8[%swap3A, %swap3A_40] : memref<2000x256xf32, #tpu.memory_space<vmem>>, vector<2000x256xf32>
      tpu.vector_store %arg8[%swap3A, %swap3A_40], %max3A_39 {strides = array<i32>} : memref<2000x256xf32, #tpu.memory_space<vmem>>, vector<2000x256xf32>,
    } else {
    }
    return
  }
  func.func @transform_0(%arg0: i32, %arg1: i32) -> (i32, i32, i32) {
    %eq3A = arith.constant 0 : i32
    %eq3A_0 = arith.cmpi eq, %arg0, %eq3A : i32
    %jit3A = arith.constant 4 : i32
    %select_n3A = arith.select %eq3A_0, %arg1, %jit3A : i32
    %c0_i32 = arith.constant 0 : i32
    %c0_i32_1 = arith.constant 0 : i32
    %c0_i32_2 = arith.constant 0 : i32
    return %c0_i32, %select_n3A, %c0_i32_1 : i32, i32, i32
  }
  func.func @transform_1(%arg0: i32, %arg1: i32) -> (i32, i32, i32) {
    %eq3A = arith.constant 0 : i32
    %eq3A_0 = arith.cmpi eq, %arg0, %eq3A : i32
    %jit3A = arith.constant 4 : i32
    %select_n3A = arith.select %eq3A_0, %arg1, %jit3A : i32
    %c1_i32 = arith.constant 1 : i32
    %c0_i32 = arith.constant 0 : i32
    %c0_i32_1 = arith.constant 0 : i32
    return %c1_i32, %select_n3A, %c0_i32 : i32, i32, i32
  }
  func.func @transform_2(%arg0: i32, %arg1: i32) -> (i32, i32) {
    %eq3A = arith.constant 0 : i32
    %eq3A_0 = arith.cmpi eq, %arg0, %eq3A : i32
    %jit3A = arith.constant 4 : i32
    %select_n3A = arith.select %eq3A_0, %arg1, %jit3A : i32
    %c0_i32 = arith.constant 0 : i32
    %c0_i32_1 = arith.constant 0 : i32
    return %select_n3A, %c0_i32 : i32, i32
  }
  func.func @transform_3(%arg0: i32, %arg1: i32) -> (i32, i32) {
    %c0_i32 = arith.constant 0 : i32
    %c0_i32_0 = arith.constant 0 : i32
    %c0_i32_1 = arith.constant 0 : i32
    return %c0_i32, %c0_i32_0 : i32, i32
  }
  func.func @transform_4(%arg0: i32, %arg1: i32) -> (i32, i32) {
    %c0_i32 = arith.constant 0 : i32
    %c0_i32_0 = arith.constant 0 : i32
    %c0_i32_1 = arith.constant 0 : i32
    return %c0_i32, %c0_i32_0 : i32, i32
  }
  func.func @transform_5(%arg0: i32, %arg1: i32) -> (i32, i32) {
    %c0_i32 = arith.constant 0 : i32
    %c0_i32_0 = arith.constant 0 : i32
    %c0_i32_1 = arith.constant 0 : i32
    return %c0_i32, %c0_i32_0 : i32, i32
  }
  func.func @transform_6(%arg0: i32, %arg1: i32) -> (i32, i32) {
    %eq3A = arith.constant 0 : i32
    %eq3A_0 = arith.cmpi eq, %arg0, %eq3A : i32
    %jit3A = arith.constant 0 : i32
    %select_n3A = arith.select %eq3A_0, %jit3A, %arg1 : i32
    %c0_i32 = arith.constant 0 : i32
    %c0_i32_1 = arith.constant 0 : i32
    return %select_n3A, %c0_i32 : i32, i32
  }
}

module attributes {stable_mosaic.version = 14 : i64} {
  func.func @_prep_body(%arg0: i32, %arg1: memref<10000x1xf32, #tpu.memory_space<vmem>>, %arg2: memref<10000x128xf32, #tpu.memory_space<vmem>>, %arg3: memref<10000x128xf32, #tpu.memory_space<vmem>>, %arg4: memref<10000x1xf32, #tpu.memory_space<vmem>>) attributes {dimension_semantics = [#tpu.dimension_semantics<arbitrary>], iteration_bounds = array<i64: 2>, scalar_prefetch = 0 : i64, scratch_operands = 0 : i64, tpu.core_type = #tpu.core_type<tc>, window_params = [{transform_indices = @transform_0, window_bounds = array<i64: 10000, 1>}, {transform_indices = @transform_1, window_bounds = array<i64: 10000, 128>}, {transform_indices = @transform_2, window_bounds = array<i64: 10000, 128>}, {pipeline_mode = #tpu.pipeline_mode<synchronous>, transform_indices = @transform_3, window_bounds = array<i64: 10000, 1>}]} {
    %get3A = arith.constant 0 : index
    %get3A_0 = arith.constant 0 : index
    %get3A_1 = vector.load %arg1[%get3A, %get3A_0] : memref<10000x1xf32, #tpu.memory_space<vmem>>, vector<10000x1xf32>
    %add3A = arith.constant 1.000000e+00 : f32
    %add3A_2 = vector.broadcast %add3A : f32 to vector<10000x1xf32>
    %add3A_3 = arith.addf %get3A_1, %add3A_2 : vector<10000x1xf32>
    %rsqrt3A = math.rsqrt %add3A_3 : vector<10000x1xf32>
    %get3A_4 = arith.constant 0 : index
    %get3A_5 = arith.constant 0 : index
    %get3A_6 = vector.load %arg2[%get3A_4, %get3A_5] : memref<10000x128xf32, #tpu.memory_space<vmem>>, vector<10000x128xf32>
    %mul3A = vector.broadcast %rsqrt3A : vector<10000x1xf32> to vector<10000x128xf32>
    %mul3A_7 = arith.mulf %get3A_6, %mul3A : vector<10000x128xf32>
    %swap3A = arith.constant 0 : index
    %swap3A_8 = arith.constant 0 : index
    %swap3A_9 = vector.load %arg3[%swap3A, %swap3A_8] : memref<10000x128xf32, #tpu.memory_space<vmem>>, vector<10000x128xf32>
    tpu.vector_store %arg3[%swap3A, %swap3A_8], %mul3A_7 {strides = array<i32>} : memref<10000x128xf32, #tpu.memory_space<vmem>>, vector<10000x128xf32>,
    %swap3A_10 = arith.constant 0 : index
    %swap3A_11 = arith.constant 0 : index
    %swap3A_12 = vector.load %arg4[%swap3A_10, %swap3A_11] : memref<10000x1xf32, #tpu.memory_space<vmem>>, vector<10000x1xf32>
    tpu.vector_store %arg4[%swap3A_10, %swap3A_11], %rsqrt3A {strides = array<i32>} : memref<10000x1xf32, #tpu.memory_space<vmem>>, vector<10000x1xf32>,
    return
  }
  func.func @transform_0(%arg0: i32) -> (i32, i32) {
    %c0_i32 = arith.constant 0 : i32
    %c0_i32_0 = arith.constant 0 : i32
    %c0_i32_1 = arith.constant 0 : i32
    return %c0_i32, %c0_i32_0 : i32, i32
  }
  func.func @transform_1(%arg0: i32) -> (i32, i32) {
    %c0_i32 = arith.constant 0 : i32
    %c0_i32_0 = arith.constant 0 : i32
    return %c0_i32, %arg0 : i32, i32
  }
  func.func @transform_2(%arg0: i32) -> (i32, i32) {
    %c0_i32 = arith.constant 0 : i32
    %c0_i32_0 = arith.constant 0 : i32
    return %arg0, %c0_i32 : i32, i32
  }
  func.func @transform_3(%arg0: i32) -> (i32, i32) {
    %c0_i32 = arith.constant 0 : i32
    %c0_i32_0 = arith.constant 0 : i32
    %c0_i32_1 = arith.constant 0 : i32
    return %c0_i32, %c0_i32_0 : i32, i32
  }
}

</mosaic_0001>

<sc_bundles>
// kernel: kernel.6.cloned.1.call-start
scs
__scs_entry_jumppad:
0x0: {  	(pc) =	sbr.rel $0x88, $3  }
0x1: {  	(tag) =	ssettag $0x0;
	lr =	simm.s32 $0x1  }
0x2: {  	[smem:$0x3F9C] =	sst lr;
	_ =	strace $0xD0000000  }
0x3: {  	_ = 	snop  }
0x4: {  	_ = 	snop  }
0x5: {  	_ = 	snop  }
0x6: {  	_ = 	snop  }
0x7: {  	_ = 	snop  }
__scs_overlays_trampoline_lowered:
0x8: {  	[smem:$0x3FAB] =	sst s0  }
0x9: {  	[smem:$0x3FAC] =	sst s1  }
0xa: {  	[smem:$0x3FAD] =	sst s2  }
0xb: {  	[smem:$0x3FAE] =	sst s3  }
0xc: {  	[smem:$0x3FAF] =	sst s4  }
0xd: {  	[smem:$0x3FB0] =	sst s5  }
0xe: {  	[smem:$0x3FB1] =	sst s6  }
0xf: {  	[smem:$0x3FB2] =	sst s7  }
0x10: {  	[smem:$0x3FB3] =	sst s8  }
0x11: {  	[smem:$0x3FB4] =	sst s9;
	s0 =	simm.s32 @!p0 $0x0  }
0x12: {  	s1 =	sld [smem:$0x3F9A];
	s0 =	simm.s32 @p0 $0x1  }
0x13: {  	[smem:$0x3FB5] =	sst s0;
	s0 =	simm.s32 @!p1 $0x0  }
0x14: {  	s2 =	sld [smem:$0x3F99];
	s0 =	simm.s32 @p1 $0x1  }
0x15: {  	[smem:$0x3FB6] =	sst s0;
	s0 =	simm.s32 @!p2 $0x0  }
0x16: {  	s3 =	sld [smem:$0x3FDB];
	s0 =	simm.s32 @p2 $0x1  }
0x17: {  	s4 =	simm.s32 $0x1BF5;
	[smem:$0x3FB8] =	sst s0  }
0x18: {  	s0 =	sld [smem:$0x3F9B];
	_ =	swait.ge [sflag:s4], $0x0  }
0x19: {  	s7 =	sld [smem:$0x3F9C]  }
0x1a: {  	s8 =	sadd.s32 $0xFFFFE003, lr  }
0x1b: {  	s9 =	sadd.s32 $0xFFFFFEF7, lr;
	s5 =	simm.s32 $0xFFFFFFFF;
	p2 =	slt.u32 s8, $0xFFFFF086  }
0x1c: {  	p1 =	slt.u32 s9, $0xF7A;
	s5 =	simm.s32 @!p2 $0x0  }
0x1d: {  	s5 =	simm.s32 @p1 $0x1;
	p0 =	seq.s32 s7, s2  }
0x1e: {  	s7 =	smul.u32 @!p0 $0xF7A, s2;
	p2 =	seq.s32 @!p0 s5, $0x0  }
0x1f: {  	s9 =	smul.u32 $0xF7A, s1;
	s8 =	simm.s32 @!p0 $0x1BF5;
	p2 =	por !p2, p0  }
0x20: {  	[sflag:s8] =	ssyncset.s32 @!p0 $0xFFFFF086;
	s6 =	sadd.s32 @!p0 s3, s7;
	s7 =	simm.s32 @!p0 $0x108  }
0x21: {  	s3 =	sadd.s32 s3, s9;
	s6 =	sadd.s32 @!p0 $0x88, s6;
	s7 =	simm.s32 @p2 $0x1082  }
0x22: {  	[simem:s7], [sflag:s8] =	dma.local @!p0 [hbm:s6], $0xF7A  }
0x23: {  	s9 =	sor.u32 $0xD0000000, s2;
	s6 =	simm.s32 $0x108;
	_ =	swait.ge @!p0 [sflag:s8], $0x0  }
0x24: {  	s3 =	sadd.s32 $0x88, s3;
	s6 =	simm.s32 @!p1 $0x1082;
	[sflag:s4] =	ssyncset.s32 $0xFFFFF086  }
0x25: {  	[simem:s6], [sflag:s4] =	dma.local [hbm:s3], $0xF7A  }
0x26: {  	[smem:$0x3F9C] =	sst s1;
	(tag) =	ssettag s2;
	_ =	strace s9  }
0x27: {  	s1 =	sld [smem:$0x3FAC]  }
0x28: {  	s2 =	sld [smem:$0x3FAD]  }
0x29: {  	s4 =	sld [smem:$0x3FAF]  }
0x2a: {  	p0 =	seq.s32 s5, $0x0;
	s5 =	sld [smem:$0x3FB0]  }
0x2b: {  	s6 =	sld [smem:$0x3FB1]  }
0x2c: {  	s7 =	sld [smem:$0x3FB2]  }
0x2d: {  	s3 =	simm.s32 $0x108;
	s8 =	sld [smem:$0x3FB3]  }
0x2e: {  	s3 =	simm.s32 @!p0 $0x1082;
	s9 =	sld [smem:$0x3FB4]  }
0x2f: {  	lr =	sadd.s32 s0, s3;
	s0 =	sld [smem:$0x3FAB]  }
0x30: {  	s3 =	sld [smem:$0x3FAE]  }
0x31: {  	[smem:$0x3FB7] =	sst s10  }
0x32: {  	s10 =	sld [smem:$0x3FB5];
	_ =	sdelay $0x3  }
0x33: {  	p0 =	seq.s32 s10, $0x1;
	s10 =	sld [smem:$0x3FB7];
	_ =	sdelay $0x3  }
0x34: {  	[smem:$0x3FB7] =	sst s10  }
0x35: {  	s10 =	sld [smem:$0x3FB6];
	_ =	sdelay $0x3  }
0x36: {  	p1 =	seq.s32 s10, $0x1;
	s10 =	sld [smem:$0x3FB7];
	_ =	sdelay $0x3  }
0x37: {  	[smem:$0x3FB7] =	sst s10  }
0x38: {  	s10 =	sld [smem:$0x3FB8]  }
0x39: {  	_ = 	snop;
	(pc) =	sbr.ind lr, $3  }
0x3a: {  	_ = 	snop  }
0x3b: {  	_ = 	snop  }
0x3c: {  	p2 =	seq.s32 s10, $0x1;
	s10 =	sld [smem:$0x3FB7]  }
0x3d: {  	_ =	shalt  }
0x3e: {  	_ =	shalt  }
0x3f: {  	_ =	shalt  }
0x40: {  	_ =	shalt  }
0x41: {  	_ =	shalt  }
0x42: {  	_ =	shalt  }
0x43: {  	_ =	shalt  }
0x44: {  	_ =	shalt  }
0x45: {  	_ =	shalt  }
0x46: {  	_ =	shalt  }
0x47: {  	_ =	shalt  }
0x48: {  	_ =	shalt  }
0x49: {  	_ =	shalt  }
0x4a: {  	_ =	shalt  }
0x4b: {  	_ =	shalt  }
0x4c: {  	_ =	shalt  }
0x4d: {  	_ =	shalt  }
0x4e: {  	_ =	shalt  }
0x4f: {  	_ =	shalt  }
0x50: {  	_ =	shalt  }
0x51: {  	_ =	shalt  }
0x52: {  	_ =	shalt  }
0x53: {  	_ =	shalt  }
0x54: {  	_ =	shalt  }
0x55: {  	_ =	shalt  }
0x56: {  	_ =	shalt  }
0x57: {  	_ =	shalt  }
0x58: {  	_ =	shalt  }
0x59: {  	_ =	shalt  }
0x5a: {  	_ =	shalt  }
0x5b: {  	_ =	shalt  }
0x5c: {  	_ =	shalt  }
0x5d: {  	_ =	shalt  }
0x5e: {  	_ =	shalt  }
0x5f: {  	_ =	shalt  }
0x60: {  	_ =	shalt  }
0x61: {  	_ =	shalt  }
0x62: {  	_ =	shalt  }
0x63: {  	_ =	shalt  }
0x64: {  	_ =	shalt  }
0x65: {  	_ =	shalt  }
0x66: {  	_ =	shalt  }
0x67: {  	_ =	shalt  }
0x68: {  	_ =	shalt  }
0x69: {  	_ =	shalt  }
0x6a: {  	_ =	shalt  }
0x6b: {  	_ =	shalt  }
0x6c: {  	_ =	shalt  }
0x6d: {  	_ =	shalt  }
0x6e: {  	_ =	shalt  }
0x6f: {  	_ =	shalt  }
0x70: {  	_ =	shalt  }
0x71: {  	_ =	shalt  }
0x72: {  	_ =	shalt  }
0x73: {  	_ =	shalt  }
0x74: {  	_ =	shalt  }
0x75: {  	_ =	shalt  }
0x76: {  	_ =	shalt  }
0x77: {  	_ =	shalt  }
0x78: {  	_ =	shalt  }
0x79: {  	_ =	shalt  }
0x7a: {  	_ =	shalt  }
0x7b: {  	_ =	shalt  }
0x7c: {  	_ =	shalt  }
0x7d: {  	_ =	shalt  }
0x7e: {  	_ =	shalt  }
0x7f: {  	_ =	shalt  }
0x80: {  	_ =	shalt  }
0x81: {  	_ =	shalt  }
0x82: {  	_ =	shalt  }
0x83: {  	_ =	shalt  }
0x84: {  	_ =	shalt  }
0x85: {  	_ =	shalt  }
0x86: {  	_ =	shalt  }
0x87: {  	_ =	shalt  }
.Lfunc_end0:
.L_simem_size_0:
called_computation_lowered:
.L_overlay_start_0:
0x88: {  	s2 =	sld [smem:$0x3FD9]  }
0x89: {  	s3 =	sld [smem:$0x3FFE];
	_ =	sdelay $0x1  }
0x8a: {  	s1 =	srdreg.scid  }
0x8b: {  	s0 =	sand.u32 $0x1, s1  }
0x8c: {  	s17 =	sshll.u32 s0, $0xA;
	s2 =	sadd.s32 s3, s2  }
0x8d: {  	s2 =	sadd.s32 s2, s17  }
0x8e: {  	[smem:$0x3FC3] =	sst s2  }
0x8f: {  	_ = 	snop  }
0x90: {  	s2 =	sld [smem:$0x3FD0];
	(tm) =	ssettm $0x1  }
0x91: {  	s18 =	sld [smem:$0x3FFB];
	_ =	sdelay $0x3  }
0x92: {  	_ =	strace s18  }
0x93: {  	s3 =	sld [smem:$0x3FFC];
	_ =	sdelay $0x3  }
0x94: {  	_ =	strace s3  }
0x95: {  	s3 =	sld [smem:$0x3FFD];
	_ =	sdelay $0x3  }
0x96: {  	_ =	strace s3  }
0x97: {  	_ =	strace $0x8FFFFFFF  }
0x98: {  	s19 =	sld [smem:$0x3FDB];
	_ =	sdelay $0x1  }
0x99: {  	s4 =	simm.s32 $_scs_section_size  }
0x9a: {  	s5 =	simm.s32 $_size__tile_overlayer_lowered;
	s6 =	simm.s32 $_tile_overlayer_lowered  }
0x9b: {  	s22 =	simm.s32 $0x1BFF;
	s21 =	sshll.u32 s6, $0x1;
	s3 =	sadd.s32 s4, s19  }
0x9c: {  	s7 =	simm.s32 $0x0;
	s20 =	sshll.u32 s5, $0x1;
	s5 =	sadd.s32 s21, s3  }
0x9d: {  	[timem:s7], [sflag:s22] =	dma.local [hbm:s5], s20  }
0x9e: {  	_ =	swait.ge [sflag:s22], s20  }
0x9f: {  	s4 =	ssub.s32 $0x0, s20;
	[sflag:s22] =	ssyncset.done $0x0  }
0xa0: {  	[sflag:s22] =	ssyncadd.s32 s4;
	_ =	sdelay $0x1  }
0xa1: {  	s23 =	simm.s32 $0x1B8B  }
0xa2: {  	_ =	swait.ge [sflag:s23], $0x1  }
0xa3: {  	[sflag:s23] =	ssyncset.done $0x0  }
0xa4: {  	s25 =	simm.s32 $0x1B8E;
	s24 =	sld [smem:$0x3FFE];
	[sflag:s23] =	ssyncadd.s32 $0xFFFFFFFF  }
0xa5: {  	s26 =	simm.s32 $execute0_lowered;
	[smem:$0x3FD2] =	sst s25  }
0xa6: {  	s5 =	sshll.u32 s26, $0x1;
	_ =	strace $0x80000046;
	[dreg:$0x1] =	wrdreg $0xFFFFFFFF  }
0xa7: {  	s28 =	simm.s32 $_size_execute0_lowered;
	s3 =	sadd.s32 s3, s5;
	[dreg:$0x0] =	wrdreg $0x0  }
0xa8: {  	s5 =	sshll.u32 s28, $0x1;
	[dreg:$0x2] =	wrdreg s3  }
0xa9: {  	[dreg:$0x3] =	wrdreg s5  }
0xaa: {  	[dreg:$0x4] =	wrdreg $0xC0  }
0xab: {  	_ =	task [dreg:s7], $0x5FFFF  }
0xac: {  	[dreg:$0x1] =	wrdreg $0xFFFFFFFF  }
0xad: {  	[dreg:$0x0] =	wrdreg $0x60  }
0xae: {  	[dreg:$0x2] =	wrdreg s24  }
0xaf: {  	[dreg:$0x3] =	wrdreg s2  }
0xb0: {  	[dreg:$0x4] =	wrdreg $0x67000  }
0xb1: {  	[dreg:$0x5] =	wrdreg $0x9  }
0xb2: {  	_ =	task.clear_ibuf [dreg:s7], $0x6FFFF;
	_ =	strace $0x90000046  }
0xb3: {  	s29 =	simm.s32 $0x9;
	_ =	strace $0x80000048  }
0xb4: {  	_ =	swait.ge [sflag:s29], $0x1  }
0xb5: {  	[sflag:s29] =	ssyncadd.s32 $0xFFFFFFFF  }
0xb6: {  	_ =	strace $0x90000048  }
0xb7: {  	_ =	sfence  }
0xb8: {  	s30 =	sld [smem:$0x0];
	_ =	sdelay $0x2  }
0xb9: {  	s31 =	sshll.u32 s1, $0xD;
	s1 =	sshrl.u32 s1, $0x2  }
0xba: {  	s3 =	sand.u32 $0x4000, s31;
	s1 =	sadd.s32 s1, s30  }
0xbb: {  	s0 =	sor.u32 s3, s0;
	s1 =	sshll.u32 s1, $0x11  }
0xbc: {  	s0 =	sor.u32 s1, s0  }
0xbd: {  	s0 =	sadd.s32 $0x8F2B, s0  }
0xbe: {  	[sflag:s0] =	ssyncadd.remote.s32 $0x1  }
0xbf: {  	_ =	sfence.sel $0xFFFF  }
0xc0: {  	[dreg:$0x0] =	wrdreg $0xFFFFFFFF;
	(pc) =	sbr.abs _section_cstart, $3  }
0xc1: {  	[dreg:$0x1] =	wrdreg $0xFFFFFFFF  }
0xc2: {  	_ =	task.clear_ibuf [dreg:s7], $0x2FFFF;
	_ =	strace $0x9FFFFFFF  }
0xc3: {  	(tm) =	ssettm $0x7FFFFFFF  }
tec
execute0_lowered:
.L_overlay_start_1:
0x0: {  	(tag) =	ssettag $0x1  }
0x1: {  	s4 =	rddreg [dreg:$0x0]  }
0x2: {  	s6 =	rddreg [dreg:$0x1]  }
0x3: {  	s2 =	rddreg [dreg:$0x2]  }
0x4: {  	s0 =	rddreg [dreg:$0x3];
	s5 =	srdreg.scid  }
0x5: {  	s1 =	stileid.u32;
	s3 =	simm.s32 $0x0;
	s10 =	simm.s32 $0x50  }
0x6: {  	s12 =	simm.s32 $0x1;
	s15 =	simm.s32 $0x0;
	s30 =	smul.u32 $0x6400, s1  }
0x7: {  	s11 =	sand.u32 $0x1, s5;
	[smem:$0x7FF] =	sst s3;
	s9 =	smul.u32 $0x280, s1  }
0x8: {  	s7 =	ssub.s32 $0x2, s11;
	_ =	strace $0x80000047;
	p0 =	sne.s32 s11, $0x0  }
0x9: {  	s11 =	simm.s32 $0x6400;
	s8 =	sshrl.u32 s7, $0x1;
	s5 =	sshrl.u32 s30, $0x3  }
0xa: {  	s31 =	sshrl.u32 s9, $0x3;
	s13 =	sshll.u32 @!p0 s1, $0x6;
	s7 =	ssub.s32 s7, s8  }
0xb: {  	s5 =	sadd.s32 s4, s5;
	s4 =	sadd.s32 s9, s2;
	s6 =	sadd.s32 s6, s31  }
0xc: {  	s8 =	simm.s32 $0x6480;
	s9 =	simm.s32 $0x2;
	s13 =	sor.u32 @!p0 $0x1C02, s13  }
0xd: {  	v0 =	vimm.f32 $1.000000000e+00;
	v1 =	vimm.f32 $0.0e+00;
	s5 =	sadd.s32 $0xDC00, s5;
	s7 =	smax.u32 s7, $0x1;
	s14 =	sshrl.u32 @!p0 s4, $0x3  }
.LBB2_1:
0xe: {  	[tilespmem:$0x6400] =	vst v0  }
0xf: {  	[tilespmem:$0x6410] =	vst v0  }
0x10: {  	[tilespmem:$0x6420] =	vst v0  }
0x11: {  	[tilespmem:$0x6430] =	vst v0  }
0x12: {  	[tilespmem:$0x6440] =	vst v0  }
0x13: {  	[tilespmem:$0x6480] =	vst v1  }
0x14: {  	[tilespmem:$0x6490] =	vst v1  }
0x15: {  	[tilespmem:$0x64A0] =	vst v1  }
0x16: {  	[tilespmem:$0x64B0] =	vst v1  }
0x17: {  	[tilespmem:$0x64C0] =	vst v1  }
0x18: {  	[tilespmem:$0x64D0] =	vst v1  }
0x19: {  	[tilespmem:$0x64E0] =	vst v1  }
0x1a: {  	[tilespmem:$0x64F0] =	vst v1  }
0x1b: {  	[tilespmem:$0x6500] =	vst v1  }
0x1c: {  	[tilespmem:$0x6510] =	vst v1  }
0x1d: {  	[tilespmem:$0x6520] =	vst v1  }
0x1e: {  	[tilespmem:$0x6530] =	vst v1  }
0x1f: {  	[tilespmem:$0x6540] =	vst v1  }
0x20: {  	[tilespmem:$0x6550] =	vst v1  }
0x21: {  	[tilespmem:$0x6560] =	vst v1  }
0x22: {  	[tilespmem:$0x6570] =	vst v1  }
0x23: {  	[tilespmem:$0x6580] =	vst v1  }
0x24: {  	[tilespmem:$0x6590] =	vst v1  }
0x25: {  	[tilespmem:$0x65A0] =	vst v1  }
0x26: {  	[tilespmem:$0x65B0] =	vst v1  }
0x27: {  	[tilespmem:$0x65C0] =	vst v1  }
0x28: {  	[tilespmem:$0x65D0] =	vst v1  }
0x29: {  	[tilespmem:$0x65E0] =	vst v1  }
0x2a: {  	[tilespmem:$0x65F0] =	vst v1  }
0x2b: {  	[tilespmem:$0x6600] =	vst v1  }
0x2c: {  	[tilespmem:$0x6610] =	vst v1  }
0x2d: {  	[tilespmem:$0x6620] =	vst v1  }
0x2e: {  	[tilespmem:$0x6630] =	vst v1  }
0x2f: {  	[tilespmem:$0x6640] =	vst v1  }
0x30: {  	[tilespmem:$0x6650] =	vst v1  }
0x31: {  	[tilespmem:$0x6660] =	vst v1  }
0x32: {  	[tilespmem:$0x6670] =	vst v1  }
0x33: {  	[tilespmem:$0x6680] =	vst v1  }
0x34: {  	[tilespmem:$0x6690] =	vst v1  }
0x35: {  	[tilespmem:$0x66A0] =	vst v1  }
0x36: {  	[tilespmem:$0x66B0] =	vst v1  }
0x37: {  	[tilespmem:$0x66C0] =	vst v1  }
0x38: {  	[tilespmem:$0x66D0] =	vst v1  }
0x39: {  	[tilespmem:$0x66E0] =	vst v1  }
0x3a: {  	[tilespmem:$0x66F0] =	vst v1  }
0x3b: {  	[spmem:s4] =	stream.linear.scatter [tilespmem:s8], [sflag:$0x2], $0x280, $0x38;
	[tilespmem:$0x6980] =	vst v63  }
0x3c: {  	_ =	swait.ge [sflag:s9], $0x280  }
0x3d: {  	[sflag:s9] =	ssyncset.done $0x0  }
0x3e: {  	s16 =	simm.s32 $0x80;
	s19 =	sadd.s32 $0x0, s5;
	[sflag:s9] =	ssyncadd.s32 $0xFFFFFD80  }
0x3f: {  	s17 =	simm.s32 $0x400;
	s18 =	simm.s32 $0x0;
	[bflag:$0x0] =	sbarrier.arrive $0xFFFF  }
.LBB2_2:
0x40: {  	[tilespmem:s18], [sflag:$0x2] =	stream.linear.gather [hbm4b:s19+s3], $0x280, $0x38;
	[tilespmem:$0x6980] =	vst v63  }
0x41: {  	s19 =	smov.u32 s16;
	s18 =	smov.u32 s17;
	p1 =	sne.s32 s16, $0xC00  }
.Ltmp0:
0x42: {  	s16 =	sadd.s32 $0x80, s16;
	(pc) =	sbr.rel @p1 .LBB2_2-.Ltmp0, $2  }
0x43: {  	_ =	sdelay $0x2  }
0x44: {  	s17 =	sadd.s32 $0x400, s17;
	s19 =	sadd.s32 s19, s5  }
0x45: {  	s16 =	simm.s32 $0x0  }
0x46: {  	s17 =	smul.u32 $0xCD, s16  }
0x47: {  	[tilespmem:s18], [sflag:$0x2] =	stream.linear.gather [hbm4b:s19+s3], $0x280, $0x38;
	[tilespmem:$0x6980] =	vst v63  }
0x48: {  	_ =	swait.ge [sflag:s9], $0x3E80;
	s30 =	sshrl.u32 s17, $0xA  }
0x49: {  	[sflag:s9] =	ssyncset.done $0x0;
	s31 =	sand.u32 $0x3F, s30  }
0x4a: {  	s18 =	simm.s32 $0x1;
	[sflag:s9] =	ssyncadd.s32 $0xFFFFC180;
	s19 =	smul.u32 $0x5, s31  }
.LBB2_4:
0x4b: {  	s20 =	smul.u32 $0xCD, s18;
	s21 =	smov.u32 s18;
	p1 =	sne.s32 s18, $0x7C  }
.Ltmp1:
0x4c: {  	s18 =	sadd.s32 $0x1, s18;
	s16 =	ssub.s32 s16, s19;
	(pc) =	sbr.rel @p1 .LBB2_4-.Ltmp1, $4  }
0x4d: {  	s22 =	sand.u32 $0xFF, s16;
	s16 =	smov.u32 s21;
	s19 =	sshrl.u32 s20, $0xA  }
0x4e: {  	s17 =	sand.u32 $0xFC00, s17;
	s21 =	sshll.u32 s22, $0x7;
	s19 =	sand.u32 $0x3F, s19  }
0x4f: {  	s21 =	sor.u32 s21, s17;
	s17 =	smov.u32 s20;
	s19 =	smul.u32 $0x5, s19  }
0x50: {  	[spmem:s2] =	stream.indirect.scatter.add.f32 [tilespmem:s11], [sflag:$0x1], $0x1, s21, s10, $0xb8;
	[tilespmem:$0x6980] =	vst v63  }
0x51: {  	s16 =	ssub.s32 s16, s19  }
0x52: {  	s16 =	sand.u32 $0xFF, s16  }
0x53: {  	s17 =	sand.u32 $0xFC00, s17;
	s16 =	sshll.u32 s16, $0x7  }
0x54: {  	s16 =	sor.u32 s16, s17  }
0x55: {  	[spmem:s2] =	stream.indirect.scatter.add.f32 [tilespmem:s11], [sflag:$0x1], $0x1, s16, s10, $0xb8;
	[tilespmem:$0x6980] =	vst v63  }
0x56: {  	_ =	swait.ge [sflag:s12], $0x50  }
0x57: {  	s16 =	simm.s32 $0x7C;
	[sflag:s12] =	ssyncset.done $0x0  }
.LBB2_6:
0x58: {  	p1 =	sne.s32 s16, $0x1;
	s16 =	sadd.s32 $0xFFFFFFFF, s16;
	[sflag:s12] =	ssyncadd.s32 $0xFFFFFFB0  }
.Ltmp2:
0x59: {  	(pc) =	sbr.rel @p1 .LBB2_6-.Ltmp2, $3  }
0x5a: {  	_ =	sdelay $0x1  }
0x5b: {  	_ =	swait.ge [sflag:s12], $0x50  }
0x5c: {  	[sflag:s12] =	ssyncset.done $0x0  }
0x5d: {  	s15 =	sadd.s32 $0x1, s15  }
0x5e: {  	[sflag:s12] =	ssyncadd.s32 $0xFFFFFFB0;
	p1 =	sne.s32 s15, s7  }
.Ltmp3:
0x5f: {  	s16 =	simm.s32 @!p0 $0x2;
	[bflag:$0x0] =	sbarrier.arrive $0xFFFF;
	(pc) =	sbr.rel @p1 .LBB2_1-.Ltmp3, $4  }
0x60: {  	[hbm:s6], [sflag:s13] =	dma.local @!p0 [spmem:s14], $0x50  }
0x61: {  	_ =	swait.ge @!p0 [sflag:s16], $0x50  }
0x62: {  	[sflag:s16] =	ssyncset.done @!p0 $0x0  }
0x63: {  	[sflag:s16] =	ssyncadd.s32 @!p0 $0xFFFFFFB0  }
0x64: {  	_ =	sfence.sel $0x180000  }
0x65: {  	[bflag:$0x0] =	sbarrier.arrive $0xFFFF  }
0x66: {  	p0 =	sne.s32 s1, $0x0;
	_ =	strace $0x90000047  }
0x67: {  	s0 =	sadd.s32 @!p0 $0x100000, s0;
	[bflag:$0x2] =	sbarrier.arrive $0xFFFF  }
0x68: {  	[sflag:s0] =	ssyncadd.tile.s32 @!p0 $0x1;
	_ =	shalt  }
.Lfunc_end2:
_tile_overlayer_lowered:
.L_overlay_start_2:
0x69: {  	(tag) =	ssettag $0x2  }
0x6a: {  	s0 =	rddreg [dreg:$0x0];
	s2 =	stileid.u32  }
0x6b: {  	s1 =	rddreg [dreg:$0x1];
	p0 =	sne.s32 s2, $0x0  }
0x6c: {  	s3 =	rddreg [dreg:$0x2];
	[bflag:$0x3] =	sbarrier.arrive $0xFFFF;
	s2 =	simm.s32 @!p0 $0x1C02  }
0x6d: {  	[timem:s3], [sflag:s2] =	dma.local @!p0 [hbm:s0], s1  }
0x6e: {  	s0 =	simm.s32 @!p0 $0x2  }
0x6f: {  	_ =	swait.ge @!p0 [sflag:s0], s1  }
0x70: {  	s1 =	ssub.s32 @!p0 $0x0, s1;
	[sflag:s0] =	ssyncset.done @!p0 $0x0  }
0x71: {  	[sflag:s0] =	ssyncadd.s32 @!p0 s1  }
0x72: {  	[bflag:$0x3] =	sbarrier.arrive $0xFFFF  }
0x73: {  	_ =	shalt  }

// kernel: kernel.9.cloned.1.call-start
scs
__scs_entry_jumppad:
0x0: {  	(pc) =	sbr.rel $0x88, $3  }
0x1: {  	(tag) =	ssettag $0x0;
	lr =	simm.s32 $0x1  }
0x2: {  	[smem:$0x3F9C] =	sst lr;
	_ =	strace $0xD0000000  }
0x3: {  	_ = 	snop  }
0x4: {  	_ = 	snop  }
0x5: {  	_ = 	snop  }
0x6: {  	_ = 	snop  }
0x7: {  	_ = 	snop  }
__scs_overlays_trampoline_lowered:
0x8: {  	[smem:$0x3FAB] =	sst s0  }
0x9: {  	[smem:$0x3FAC] =	sst s1  }
0xa: {  	[smem:$0x3FAD] =	sst s2  }
0xb: {  	[smem:$0x3FAE] =	sst s3  }
0xc: {  	[smem:$0x3FAF] =	sst s4  }
0xd: {  	[smem:$0x3FB0] =	sst s5  }
0xe: {  	[smem:$0x3FB1] =	sst s6  }
0xf: {  	[smem:$0x3FB2] =	sst s7  }
0x10: {  	[smem:$0x3FB3] =	sst s8  }
0x11: {  	[smem:$0x3FB4] =	sst s9;
	s0 =	simm.s32 @!p0 $0x0  }
0x12: {  	s1 =	sld [smem:$0x3F9A];
	s0 =	simm.s32 @p0 $0x1  }
0x13: {  	[smem:$0x3FB5] =	sst s0;
	s0 =	simm.s32 @!p1 $0x0  }
0x14: {  	s2 =	sld [smem:$0x3F99];
	s0 =	simm.s32 @p1 $0x1  }
0x15: {  	[smem:$0x3FB6] =	sst s0;
	s0 =	simm.s32 @!p2 $0x0  }
0x16: {  	s3 =	sld [smem:$0x3FDB];
	s0 =	simm.s32 @p2 $0x1  }
0x17: {  	s4 =	simm.s32 $0x1BF5;
	[smem:$0x3FB8] =	sst s0  }
0x18: {  	s0 =	sld [smem:$0x3F9B];
	_ =	swait.ge [sflag:s4], $0x0  }
0x19: {  	s7 =	sld [smem:$0x3F9C]  }
0x1a: {  	s8 =	sadd.s32 $0xFFFFE003, lr  }
0x1b: {  	s9 =	sadd.s32 $0xFFFFFEF7, lr;
	s5 =	simm.s32 $0xFFFFFFFF;
	p2 =	slt.u32 s8, $0xFFFFF086  }
0x1c: {  	p1 =	slt.u32 s9, $0xF7A;
	s5 =	simm.s32 @!p2 $0x0  }
0x1d: {  	s5 =	simm.s32 @p1 $0x1;
	p0 =	seq.s32 s7, s2  }
0x1e: {  	s7 =	smul.u32 @!p0 $0xF7A, s2;
	p2 =	seq.s32 @!p0 s5, $0x0  }
0x1f: {  	s9 =	smul.u32 $0xF7A, s1;
	s8 =	simm.s32 @!p0 $0x1BF5;
	p2 =	por !p2, p0  }
0x20: {  	[sflag:s8] =	ssyncset.s32 @!p0 $0xFFFFF086;
	s6 =	sadd.s32 @!p0 s3, s7;
	s7 =	simm.s32 @!p0 $0x108  }
0x21: {  	s3 =	sadd.s32 s3, s9;
	s6 =	sadd.s32 @!p0 $0x88, s6;
	s7 =	simm.s32 @p2 $0x1082  }
0x22: {  	[simem:s7], [sflag:s8] =	dma.local @!p0 [hbm:s6], $0xF7A  }
0x23: {  	s9 =	sor.u32 $0xD0000000, s2;
	s6 =	simm.s32 $0x108;
	_ =	swait.ge @!p0 [sflag:s8], $0x0  }
0x24: {  	s3 =	sadd.s32 $0x88, s3;
	s6 =	simm.s32 @!p1 $0x1082;
	[sflag:s4] =	ssyncset.s32 $0xFFFFF086  }
0x25: {  	[simem:s6], [sflag:s4] =	dma.local [hbm:s3], $0xF7A  }
0x26: {  	[smem:$0x3F9C] =	sst s1;
	(tag) =	ssettag s2;
	_ =	strace s9  }
0x27: {  	s1 =	sld [smem:$0x3FAC]  }
0x28: {  	s2 =	sld [smem:$0x3FAD]  }
0x29: {  	s4 =	sld [smem:$0x3FAF]  }
0x2a: {  	p0 =	seq.s32 s5, $0x0;
	s5 =	sld [smem:$0x3FB0]  }
0x2b: {  	s6 =	sld [smem:$0x3FB1]  }
0x2c: {  	s7 =	sld [smem:$0x3FB2]  }
0x2d: {  	s3 =	simm.s32 $0x108;
	s8 =	sld [smem:$0x3FB3]  }
0x2e: {  	s3 =	simm.s32 @!p0 $0x1082;
	s9 =	sld [smem:$0x3FB4]  }
0x2f: {  	lr =	sadd.s32 s0, s3;
	s0 =	sld [smem:$0x3FAB]  }
0x30: {  	s3 =	sld [smem:$0x3FAE]  }
0x31: {  	[smem:$0x3FB7] =	sst s10  }
0x32: {  	s10 =	sld [smem:$0x3FB5];
	_ =	sdelay $0x3  }
0x33: {  	p0 =	seq.s32 s10, $0x1;
	s10 =	sld [smem:$0x3FB7];
	_ =	sdelay $0x3  }
0x34: {  	[smem:$0x3FB7] =	sst s10  }
0x35: {  	s10 =	sld [smem:$0x3FB6];
	_ =	sdelay $0x3  }
0x36: {  	p1 =	seq.s32 s10, $0x1;
	s10 =	sld [smem:$0x3FB7];
	_ =	sdelay $0x3  }
0x37: {  	[smem:$0x3FB7] =	sst s10  }
0x38: {  	s10 =	sld [smem:$0x3FB8]  }
0x39: {  	_ = 	snop;
	(pc) =	sbr.ind lr, $3  }
0x3a: {  	_ = 	snop  }
0x3b: {  	_ = 	snop  }
0x3c: {  	p2 =	seq.s32 s10, $0x1;
	s10 =	sld [smem:$0x3FB7]  }
0x3d: {  	_ =	shalt  }
0x3e: {  	_ =	shalt  }
0x3f: {  	_ =	shalt  }
0x40: {  	_ =	shalt  }
0x41: {  	_ =	shalt  }
0x42: {  	_ =	shalt  }
0x43: {  	_ =	shalt  }
0x44: {  	_ =	shalt  }
0x45: {  	_ =	shalt  }
0x46: {  	_ =	shalt  }
0x47: {  	_ =	shalt  }
0x48: {  	_ =	shalt  }
0x49: {  	_ =	shalt  }
0x4a: {  	_ =	shalt  }
0x4b: {  	_ =	shalt  }
0x4c: {  	_ =	shalt  }
0x4d: {  	_ =	shalt  }
0x4e: {  	_ =	shalt  }
0x4f: {  	_ =	shalt  }
0x50: {  	_ =	shalt  }
0x51: {  	_ =	shalt  }
0x52: {  	_ =	shalt  }
0x53: {  	_ =	shalt  }
0x54: {  	_ =	shalt  }
0x55: {  	_ =	shalt  }
0x56: {  	_ =	shalt  }
0x57: {  	_ =	shalt  }
0x58: {  	_ =	shalt  }
0x59: {  	_ =	shalt  }
0x5a: {  	_ =	shalt  }
0x5b: {  	_ =	shalt  }
0x5c: {  	_ =	shalt  }
0x5d: {  	_ =	shalt  }
0x5e: {  	_ =	shalt  }
0x5f: {  	_ =	shalt  }
0x60: {  	_ =	shalt  }
0x61: {  	_ =	shalt  }
0x62: {  	_ =	shalt  }
0x63: {  	_ =	shalt  }
0x64: {  	_ =	shalt  }
0x65: {  	_ =	shalt  }
0x66: {  	_ =	shalt  }
0x67: {  	_ =	shalt  }
0x68: {  	_ =	shalt  }
0x69: {  	_ =	shalt  }
0x6a: {  	_ =	shalt  }
0x6b: {  	_ =	shalt  }
0x6c: {  	_ =	shalt  }
0x6d: {  	_ =	shalt  }
0x6e: {  	_ =	shalt  }
0x6f: {  	_ =	shalt  }
0x70: {  	_ =	shalt  }
0x71: {  	_ =	shalt  }
0x72: {  	_ =	shalt  }
0x73: {  	_ =	shalt  }
0x74: {  	_ =	shalt  }
0x75: {  	_ =	shalt  }
0x76: {  	_ =	shalt  }
0x77: {  	_ =	shalt  }
0x78: {  	_ =	shalt  }
0x79: {  	_ =	shalt  }
0x7a: {  	_ =	shalt  }
0x7b: {  	_ =	shalt  }
0x7c: {  	_ =	shalt  }
0x7d: {  	_ =	shalt  }
0x7e: {  	_ =	shalt  }
0x7f: {  	_ =	shalt  }
0x80: {  	_ =	shalt  }
0x81: {  	_ =	shalt  }
0x82: {  	_ =	shalt  }
0x83: {  	_ =	shalt  }
0x84: {  	_ =	shalt  }
0x85: {  	_ =	shalt  }
0x86: {  	_ =	shalt  }
0x87: {  	_ =	shalt  }
.Lfunc_end0:
.L_simem_size_0:
called_computation.1_lowered:
.L_overlay_start_0:
0x88: {  	s2 =	sld [smem:$0x3FD9]  }
0x89: {  	s3 =	sld [smem:$0x3FFE];
	_ =	sdelay $0x1  }
0x8a: {  	s1 =	srdreg.scid  }
0x8b: {  	s0 =	sand.u32 $0x1, s1  }
0x8c: {  	s17 =	sshll.u32 s0, $0xA;
	s2 =	sadd.s32 s3, s2  }
0x8d: {  	s2 =	sadd.s32 s2, s17  }
0x8e: {  	[smem:$0x3FC3] =	sst s2  }
0x8f: {  	_ = 	snop  }
0x90: {  	s2 =	sld [smem:$0x3FD0];
	(tm) =	ssettm $0x1  }
0x91: {  	s18 =	sld [smem:$0x3FFB];
	_ =	sdelay $0x3  }
0x92: {  	_ =	strace s18  }
0x93: {  	s3 =	sld [smem:$0x3FFC];
	_ =	sdelay $0x3  }
0x94: {  	_ =	strace s3  }
0x95: {  	s3 =	sld [smem:$0x3FFD];
	_ =	sdelay $0x3  }
0x96: {  	_ =	strace s3  }
0x97: {  	_ =	strace $0x8FFFFFFF  }
0x98: {  	s19 =	sld [smem:$0x3FDB];
	_ =	sdelay $0x1  }
0x99: {  	s4 =	simm.s32 $_scs_section_size  }
0x9a: {  	s5 =	simm.s32 $_size__tile_overlayer_lowered;
	s6 =	simm.s32 $_tile_overlayer_lowered  }
0x9b: {  	s22 =	simm.s32 $0x1BFF;
	s21 =	sshll.u32 s6, $0x1;
	s3 =	sadd.s32 s4, s19  }
0x9c: {  	s7 =	simm.s32 $0x0;
	s20 =	sshll.u32 s5, $0x1;
	s5 =	sadd.s32 s21, s3  }
0x9d: {  	[timem:s7], [sflag:s22] =	dma.local [hbm:s5], s20  }
0x9e: {  	_ =	swait.ge [sflag:s22], s20  }
0x9f: {  	s4 =	ssub.s32 $0x0, s20;
	[sflag:s22] =	ssyncset.done $0x0  }
0xa0: {  	[sflag:s22] =	ssyncadd.s32 s4;
	_ =	sdelay $0x1  }
0xa1: {  	s23 =	simm.s32 $0x1B8B  }
0xa2: {  	_ =	swait.ge [sflag:s23], $0x1  }
0xa3: {  	[sflag:s23] =	ssyncset.done $0x0  }
0xa4: {  	s25 =	simm.s32 $0x1B8E;
	s24 =	sld [smem:$0x3FFE];
	[sflag:s23] =	ssyncadd.s32 $0xFFFFFFFF  }
0xa5: {  	s26 =	simm.s32 $execute0_lowered;
	[smem:$0x3FD2] =	sst s25  }
0xa6: {  	s5 =	sshll.u32 s26, $0x1;
	_ =	strace $0x80000049;
	[dreg:$0x1] =	wrdreg $0xFFFFFFFF  }
0xa7: {  	s28 =	simm.s32 $_size_execute0_lowered;
	s3 =	sadd.s32 s3, s5;
	[dreg:$0x0] =	wrdreg $0x0  }
0xa8: {  	s5 =	sshll.u32 s28, $0x1;
	[dreg:$0x2] =	wrdreg s3  }
0xa9: {  	[dreg:$0x3] =	wrdreg s5  }
0xaa: {  	[dreg:$0x4] =	wrdreg $0xC0  }
0xab: {  	_ =	task [dreg:s7], $0x5FFFF  }
0xac: {  	[dreg:$0x1] =	wrdreg $0xFFFFFFFF  }
0xad: {  	[dreg:$0x0] =	wrdreg $0x60  }
0xae: {  	[dreg:$0x2] =	wrdreg s24  }
0xaf: {  	[dreg:$0x3] =	wrdreg s2  }
0xb0: {  	[dreg:$0x4] =	wrdreg $0x88000  }
0xb1: {  	[dreg:$0x5] =	wrdreg $0x9  }
0xb2: {  	_ =	task.clear_ibuf [dreg:s7], $0x6FFFF;
	_ =	strace $0x90000049  }
0xb3: {  	s29 =	simm.s32 $0x9;
	_ =	strace $0x8000004B  }
0xb4: {  	_ =	swait.ge [sflag:s29], $0x1  }
0xb5: {  	[sflag:s29] =	ssyncadd.s32 $0xFFFFFFFF  }
0xb6: {  	_ =	strace $0x9000004B  }
0xb7: {  	_ =	sfence  }
0xb8: {  	s30 =	sld [smem:$0x0];
	_ =	sdelay $0x2  }
0xb9: {  	s31 =	sshll.u32 s1, $0xD;
	s1 =	sshrl.u32 s1, $0x2  }
0xba: {  	s3 =	sand.u32 $0x4000, s31;
	s1 =	sadd.s32 s1, s30  }
0xbb: {  	s0 =	sor.u32 s3, s0;
	s1 =	sshll.u32 s1, $0x11  }
0xbc: {  	s0 =	sor.u32 s1, s0  }
0xbd: {  	s0 =	sadd.s32 $0x8F2B, s0  }
0xbe: {  	[sflag:s0] =	ssyncadd.remote.s32 $0x1  }
0xbf: {  	_ =	sfence.sel $0xFFFF  }
0xc0: {  	[dreg:$0x0] =	wrdreg $0xFFFFFFFF;
	(pc) =	sbr.abs _section_cstart, $3  }
0xc1: {  	[dreg:$0x1] =	wrdreg $0xFFFFFFFF  }
0xc2: {  	_ =	task.clear_ibuf [dreg:s7], $0x2FFFF;
	_ =	strace $0x9FFFFFFF  }
0xc3: {  	(tm) =	ssettm $0x7FFFFFFF  }
tec
execute0_lowered:
.L_overlay_start_1:
0x0: {  	(tag) =	ssettag $0x1  }
0x1: {  	s0 =	rddreg [dreg:$0x0]  }
0x2: {  	s2 =	rddreg [dreg:$0x1]  }
0x3: {  	s1 =	srdreg.scid;
	s13 =	stileid.u32  }
0x4: {  	s3 =	rddreg [dreg:$0x2];
	s6 =	smul.u32 $0x14000, s13  }
0x5: {  	s4 =	simm.s32 $0x0;
	s16 =	simm.s32 $0x4;
	s8 =	smul.u32 $0x6400, s13  }
0x6: {  	s18 =	simm.s32 $0x50;
	s22 =	simm.s32 $0x3;
	s10 =	smul.u32 $0x50000, s13  }
0x7: {  	s23 =	simm.s32 $0x1;
	s1 =	sand.u32 $0x1, s1;
	s31 =	smul.u32 $0x2800, s13  }
0x8: {  	s24 =	simm.s32 $0x2;
	s25 =	simm.s32 $0x0;
	s5 =	smul.u32 $0x140000, s1  }
0x9: {  	[smem:$0x7FF] =	sst s4;
	p0 =	seq.s32 s13, $0xF;
	s17 =	smul.u32 $0x2710, s1  }
0xa: {  	_ =	strace $0x8000004A;
	s7 =	ssub.s32 $0x2, s1;
	s1 =	smul.u32 $0x27100, s1  }
0xb: {  	s30 =	sshrl.u32 s7, $0x1;
	s8 =	sshrl.u32 s8, $0x3;
	s11 =	sshrl.u32 s10, $0x2  }
0xc: {  	s6 =	sadd.s32 s6, s5;
	s12 =	ssub.s32 s7, s30;
	s7 =	smul.u32 $0x19, s13  }
.Ltmp0:
0xd: {  	s5 =	sadd.s32 $0x1400, s0;
	s11 =	sadd.s32 s11, s3;
	(pc) =	sbr.rel .LBB2_1-.Ltmp0, $4  }
0xe: {  	s1 =	sadd.s32 s1, s2;
	s13 =	sshll.u32 s13, $0x6;
	s6 =	sshrl.u32 s6, $0x3  }
0xf: {  	s8 =	sadd.s32 s5, s8;
	s12 =	smax.u32 s12, $0x1;
	s14 =	sadd.s32 s31, s1  }
0x10: {  	s15 =	sor.u32 $0x1C03, s13;
	s0 =	sadd.s32 s6, s0;
	s6 =	simm.s32 $0x5  }
0x11: {  	v0 =	vmov s17;
	s9 =	sadd.s32 $0xC800, s8;
	s6 =	simm.s32 @!p0 $0x8;
	s10 =	sadd.s32 $0x1A400, s0  }
.LBB2_17:
0x12: {  	_ =	swait.ge [sflag:s24], $0x2800  }
0x13: {  	[sflag:s24] =	ssyncset.done $0x0  }
0x14: {  	[sflag:s24] =	ssyncadd.s32 $0xFFFFD800  }
0x15: {  	_ =	swait.ge [sflag:s24], $0x2800  }
0x16: {  	[sflag:s24] =	ssyncset.done $0x0  }
0x17: {  	[sflag:s24] =	ssyncadd.s32 $0xFFFFD800  }
0x18: {  	_ =	swait.ge [sflag:s24], $0x2800  }
0x19: {  	s25 =	sadd.s32 $0x1, s25;
	[sflag:s24] =	ssyncset.done $0x0  }
0x1a: {  	s0 =	sor.u32 $0x1C04, s13;
	p0 =	sne.s32 s25, s12;
	[sflag:s24] =	ssyncadd.s32 $0xFFFFD800  }
.Ltmp1:
0x1b: {  	s1 =	sshrl.u32 s11, $0x3;
	[bflag:$0x0] =	sbarrier.arrive $0xFFFF;
	(pc) =	sbr.rel @!p0 .LBB2_18-.Ltmp1, $4  }
0x1c: {  	[hbm:s10], [sflag:s0] =	dma.local [spmem:s1], $0x2800  }
0x1d: {  	_ =	swait.ge [sflag:s16], $0x2800  }
0x1e: {  	[sflag:s16] =	ssyncset.done $0x0  }
0x1f: {  	[sflag:s16] =	ssyncadd.s32 $0xFFFFD800  }
.LBB2_1:
0x20: {  	p0 =	sne.s32 s6, $0x1  }
.Ltmp2:
0x21: {  	_ = 	snop;
	(pc) =	sbr.rel @!p0 .LBB2_3-.Ltmp2, $3  }
0x22: {  	_ =	sdelay $0x1  }
0x23: {  	s0 =	sadd.s32 $0xFFFFFFFF, s6;
	s28 =	sshrl.u32 s11, $0x3  }
0x24: {  	s1 =	sadd.s32 $0x500, s14;
	s17 =	sadd.s32 $0x2800, s11;
	s26 =	smov.u32 s14  }
.LBB2_2:
0x25: {  	[spmem:s28], [sflag:s15] =	dma.local [hbm:s26], $0x500  }
0x26: {  	p1 =	sne.s32 s0, $0x1  }
.Ltmp3:
0x27: {  	s0 =	sadd.s32 $0xFFFFFFFF, s0;
	(pc) =	sbr.rel @p1 .LBB2_2-.Ltmp3, $2  }
0x28: {  	s26 =	smov.u32 s1;
	_ =	sdelay $0x2  }
0x29: {  	s28 =	sshrl.u32 s17, $0x3;
	s1 =	sadd.s32 $0x500, s1;
	s17 =	sadd.s32 $0x2800, s17  }
.LBB2_3:
0x2a: {  	[spmem:s28], [sflag:s15] =	dma.local [hbm:s26], $0x500  }
0x2b: {  	s0 =	simm.s32 $0x0  }
0x2c: {  	[tilespmem:s0], [sflag:$0x4] =	stream.linear.gather [hbm4b:s8+s0], $0x280, $0x38;
	[tilespmem:$0x1C800] =	vst v63  }
0x2d: {  	s1 =	smul.u32 $0xCD, s0;
	_ =	swait.ge [sflag:s16], $0x280  }
0x2e: {  	[sflag:s16] =	ssyncset.done $0x0  }
0x2f: {  	s17 =	simm.s32 $0x800;
	s29 =	sshrl.u32 s1, $0xA;
	[sflag:s16] =	ssyncadd.s32 $0xFFFFFD80  }
0x30: {  	[tilespmem:s17], [sflag:$0x4] =	stream.linear.gather [hbm4b:s9+s0], $0x280, $0x38;
	[tilespmem:$0x1C800] =	vst v63  }
0x31: {  	s17 =	sand.u32 $0x3F, s29  }
0x32: {  	s30 =	smul.u32 $0x5, s17  }
0x33: {  	s26 =	simm.s32 $0x1  }
0x34: {  	s19 =	smul.u32 $0xCD, s26;
	s0 =	ssub.s32 $0x0, s30  }
0x35: {  	s1 =	sshrl.u32 s1, $0x3;
	_ =	swait.ge [sflag:s16], $0x280;
	s0 =	sand.u32 $0xFF, s0  }
0x36: {  	s1 =	sand.u32 $0x1F80, s1;
	[sflag:s16] =	ssyncset.done $0x0;
	s0 =	sshll.u32 s0, $0x4  }
0x37: {  	s31 =	sshrl.u32 s19, $0xA;
	[sflag:s16] =	ssyncadd.s32 $0xFFFFFD80;
	s0 =	sor.u32 s0, s1  }
0x38: {  	s17 =	sand.u32 $0x3F, s31;
	v1 =	vld [tilespmem:s0+$0x0]  }
0x39: {  	s17 =	smul.u32 $0x5, s17;
	_ =	sdelay $0x1  }
0x3a: {  	s26 =	simm.s32 $0x2;
	s19 =	sshrl.u32 s19, $0x3;
	s20 =	ssub.s32 $0x1, s17  }
0x3b: {  	s17 =	simm.s32 $0x3;
	s28 =	sand.u32 $0xFF, s20;
	s1 =	smul.u32 $0xCD, s26  }
.LBB2_4:
0x3c: {  	p1 =	sne.s32 s17, $0x18;
	s19 =	sand.u32 $0x1F80, s19;
	s20 =	sshll.u32 s28, $0x4;
	v1 =	vadd.s32 v0, v1  }
0x3d: {  	s28 =	sshrl.u32 s1, $0xA;
	[tilespmem:s0+$0x0] =	vst v1;
	s0 =	sor.u32 s20, s19;
	s19 =	smov.u32 s1  }
.Ltmp4:
0x3e: {  	s1 =	sand.u32 $0x3F, s28;
	v1 =	vld [tilespmem:s0+$0x0];
	(pc) =	sbr.rel @p1 .LBB2_4-.Ltmp4, $3  }
0x3f: {  	s20 =	smul.u32 $0x5, s1;
	_ =	sdelay $0x1  }
0x40: {  	s1 =	smul.u32 $0xCD, s17;
	s20 =	ssub.s32 s26, s20;
	s26 =	smov.u32 s17  }
0x41: {  	s19 =	sshrl.u32 s19, $0x3;
	s17 =	sadd.s32 $0x1, s17;
	s28 =	sand.u32 $0xFF, s20  }
0x42: {  	s17 =	sand.u32 $0x1F80, s19;
	s31 =	sshll.u32 s28, $0x4;
	v1 =	vadd.s32 v0, v1  }
0x43: {  	s20 =	sshrl.u32 s1, $0xA;
	s17 =	sor.u32 s31, s17;
	[tilespmem:s0+$0x0] =	vst v1  }
0x44: {  	s21 =	sand.u32 $0x3F, s20;
	v1 =	vld [tilespmem:s17+$0x0]  }
0x45: {  	s0 =	smul.u32 $0x5, s21;
	_ =	sdelay $0x1  }
0x46: {  	s0 =	ssub.s32 s26, s0  }
0x47: {  	s28 =	sshrl.u32 s1, $0x3;
	s0 =	sand.u32 $0xFF, s0  }
0x48: {  	s1 =	sand.u32 $0x1F80, s28;
	s0 =	sshll.u32 s0, $0x4;
	v1 =	vadd.s32 v0, v1  }
0x49: {  	s0 =	sor.u32 s0, s1;
	[tilespmem:s17+$0x0] =	vst v1  }
0x4a: {  	v1 =	vld [tilespmem:s0+$0x0];
	_ =	sdelay $0x4  }
0x4b: {  	v1 =	vadd.s32 v0, v1  }
0x4c: {  	s29 =	simm.s32 $0x1000;
	[tilespmem:s0+$0x0] =	vst v1  }
0x4d: {  	[tilespmem:s29], [sflag:$0x1] =	stream.indirect.gather [hbm4b:s2+s18], $0x80, s4, s18, $0xb8;
	[tilespmem:$0x1C800] =	vst v63  }
.Ltmp5:
0x4e: {  	_ = 	snop;
	(pc) =	sbr.rel @!p0 .LBB2_7-.Ltmp5, $4  }
0x4f: {  	s30 =	simm.s32 $0x80;
	s31 =	simm.s32 $0x3800  }
0x50: {  	[tilespmem:s31], [sflag:$0x1] =	stream.indirect.gather [hbm4b:s2+s18], $0x80, s30, s18, $0xb8;
	[tilespmem:$0x1C800] =	vst v63  }
0x51: {  	_ =	swait.ge [sflag:s22], $0x500  }
0x52: {  	s0 =	sadd.s32 $0xFFFFFFFF, s6;
	[sflag:s22] =	ssyncset.done $0x0  }
.LBB2_6:
0x53: {  	p0 =	sne.s32 s0, $0x1;
	s0 =	sadd.s32 $0xFFFFFFFF, s0;
	[sflag:s22] =	ssyncadd.s32 $0xFFFFFB00  }
.Ltmp6:
0x54: {  	(pc) =	sbr.rel @p0 .LBB2_6-.Ltmp6, $3  }
0x55: {  	_ =	sdelay $0x1  }
0x56: {  	_ =	swait.ge [sflag:s22], $0x500  }
0x57: {  	[sflag:s22] =	ssyncset.done $0x0  }
.LBB2_7:
0x58: {  	[sflag:s22] =	ssyncadd.s32 $0xFFFFFB00  }
0x59: {  	s26 =	simm.s32 $0x0;
	[bflag:$0x0] =	sbarrier.arrive $0xFFFF  }
.LBB2_8:
0x5a: {  	s0 =	smul.u32 $0xCD, s26;
	_ =	sdelay $0x1  }
0x5b: {  	s0 =	sshrl.u32 s0, $0xA  }
0x5c: {  	s1 =	sand.u32 $0x3F, s0  }
0x5d: {  	s17 =	smul.u32 $0xFFFFFFFB, s1;
	_ =	sdelay $0x1  }
0x5e: {  	p0 =	sgt.u32 s26, $0x77;
	s28 =	sadd.s32 s26, s17  }
0x5f: {  	p1 =	sne.s32 @!p0 s28, $0x2  }
0x60: {  	p1 =	por p0, p1  }
.Ltmp7:
0x61: {  	_ = 	snop;
	(pc) =	sbr.rel @p1 .LBB2_10-.Ltmp7, $3  }
0x62: {  	_ =	sdelay $0x1  }
0x63: {  	s29 =	sand.u32 $0x1, s0  }
0x64: {  	s0 =	sxor.u32 $0x1, s29  }
0x65: {  	s1 =	sadd.s32 s1, s7  }
0x66: {  	s1 =	sshll.u32 s1, $0x7  }
.Ltmp8:
0x67: {  	s1 =	sadd.s32 s5, s1;
	(pc) =	sbr.rel .LBB2_15-.Ltmp8, $4  }
0x68: {  	s0 =	sshll.u32 s0, $0xA;
	s17 =	sadd.s32 $0x80, s1  }
0x69: {  	[tilespmem:s0], [sflag:$0x3] =	stream.linear.gather [hbm4b:s17+s4], $0x280, $0x38;
	[tilespmem:$0x1C800] =	vst v63  }
0x6a: {  	s1 =	sadd.s32 $0xC880, s1;
	s0 =	sor.u32 $0x800, s0  }
0x6b: {  	[tilespmem:s0], [sflag:$0x3] =	stream.linear.gather [hbm4b:s1+s4], $0x280, $0x38;
	[tilespmem:$0x1C800] =	vst v63  }
.LBB2_10:
0x6c: {  	p1 =	sne.s32 @!p0 s28, $0x3  }
0x6d: {  	p0 =	por p0, p1  }
.Ltmp9:
0x6e: {  	_ = 	snop;
	(pc) =	sbr.rel @p0 .LBB2_14-.Ltmp9, $1  }
0x6f: {  	_ =	sdelay $0x3  }
0x70: {  	s1 =	simm.s32 $0x0  }
0x71: {  	s1 =	smul.u32 $0xCD, s1;
	_ =	sdelay $0x1  }
0x72: {  	s17 =	sshrl.u32 s1, $0xA  }
0x73: {  	s17 =	sand.u32 $0x3F, s17  }
0x74: {  	_ =	swait.ge [sflag:s22], $0x280;
	s19 =	simm.s32 $0x1;
	s17 =	smul.u32 $0x5, s17  }
0x75: {  	s30 =	sshll.u32 s0, $0xA;
	[sflag:s22] =	ssyncset.done $0x0;
	s19 =	smul.u32 $0xCD, s19  }
0x76: {  	[sflag:s22] =	ssyncadd.s32 $0xFFFFFD80;
	s1 =	sshrl.u32 s1, $0x3;
	s20 =	ssub.s32 $0x0, s17  }
0x77: {  	_ =	swait.ge [sflag:s22], $0x280;
	s1 =	sand.u32 $0x1F80, s1;
	s0 =	sand.u32 $0xFF, s20  }
0x78: {  	[sflag:s22] =	ssyncset.done $0x0;
	s1 =	sadd.s32 s1, s30;
	s20 =	sshll.u32 s0, $0x4  }
0x79: {  	s21 =	sshrl.u32 s19, $0xA;
	[sflag:s22] =	ssyncadd.s32 $0xFFFFFD80;
	s1 =	sadd.s32 s20, s1  }
0x7a: {  	s17 =	sand.u32 $0x3F, s21;
	v1 =	vld [tilespmem:s1+$0x0]  }
0x7b: {  	s17 =	smul.u32 $0x5, s17  }
0x7c: {  	s0 =	simm.s32 $0x2  }
0x7d: {  	s21 =	sshrl.u32 s19, $0x3;
	s31 =	smul.u32 $0xCD, s0;
	s20 =	ssub.s32 $0x1, s17  }
0x7e: {  	s17 =	simm.s32 $0x3;
	s19 =	sand.u32 $0xFF, s20;
	s20 =	sand.u32 $0x1F80, s21  }
.LBB2_12:
0x7f: {  	p0 =	seq.s32 s17, $0x18;
	s20 =	sadd.s32 s20, s30;
	s19 =	sshll.u32 s19, $0x4;
	v1 =	vadd.s32 v0, v1  }
0x80: {  	s21 =	sshrl.u32 s31, $0xA;
	[tilespmem:s1+$0x0] =	vst v1;
	s1 =	sadd.s32 s19, s20;
	s19 =	smov.u32 s0  }
.Ltmp10:
0x81: {  	s20 =	sand.u32 $0x3F, s21;
	s0 =	smov.u32 s17;
	v1 =	vld [tilespmem:s1+$0x0];
	(pc) =	sbr.rel @!p0 .LBB2_12-.Ltmp10, $3  }
0x82: {  	s20 =	smul.u32 $0x5, s20;
	_ =	sdelay $0x1  }
0x83: {  	s19 =	ssub.s32 s19, s20;
	s20 =	sshrl.u32 s31, $0x3;
	s31 =	smul.u32 $0xCD, s17  }
0x84: {  	s17 =	sadd.s32 $0x1, s17;
	s19 =	sand.u32 $0xFF, s19;
	s20 =	sand.u32 $0x1F80, s20  }
0x85: {  	s17 =	sadd.s32 s20, s30;
	s19 =	sshll.u32 s19, $0x4;
	v1 =	vadd.s32 v0, v1  }
0x86: {  	s21 =	sshrl.u32 s31, $0xA;
	s17 =	sadd.s32 s19, s17;
	[tilespmem:s1+$0x0] =	vst v1  }
0x87: {  	s21 =	sand.u32 $0x3F, s21;
	v1 =	vld [tilespmem:s17+$0x0]  }
0x88: {  	s1 =	smul.u32 $0x5, s21;
	_ =	sdelay $0x1  }
0x89: {  	s31 =	sshrl.u32 s31, $0x3;
	s0 =	ssub.s32 s0, s1  }
0x8a: {  	s1 =	sand.u32 $0x1F80, s31;
	s0 =	sand.u32 $0xFF, s0  }
0x8b: {  	s1 =	sadd.s32 s1, s30;
	s0 =	sshll.u32 s0, $0x4;
	v1 =	vadd.s32 v0, v1  }
0x8c: {  	s0 =	sadd.s32 s0, s1;
	[tilespmem:s17+$0x0] =	vst v1  }
0x8d: {  	v1 =	vld [tilespmem:s0+$0x0];
	_ =	sdelay $0x4  }
0x8e: {  	v1 =	vadd.s32 v0, v1  }
0x8f: {  	[tilespmem:s0+$0x0] =	vst v1  }
.LBB2_15:
0x90: {  	s0 =	sadd.s32 $0x2, s26  }
0x91: {  	s1 =	smul.u32 $0xAB, s0;
	_ =	sdelay $0x1  }
0x92: {  	s17 =	smul.u32 $0xCD, s0;
	s1 =	sshrl.u32 s1, $0x9  }
0x93: {  	s1 =	sand.u32 $0x7F, s1  }
0x94: {  	s19 =	sshrl.u32 s17, $0xA;
	s1 =	smul.u32 $0x3, s1  }
0x95: {  	s19 =	sand.u32 $0x3F, s19  }
0x96: {  	p0 =	seq.s32 s26, $0x0;
	s19 =	smul.u32 $0x7FFFFB, s19;
	s1 =	ssub.s32 s0, s1  }
0x97: {  	s20 =	simm.s32 @!p0 $0x2;
	s1 =	sand.u32 $0xFF, s1  }
0x98: {  	_ =	swait.ge @!p0 [sflag:s20], $0x2800;
	s0 =	sadd.s32 s0, s19;
	s1 =	smul.u32 $0xA000, s1  }
0x99: {  	[sflag:s20] =	ssyncset.done @!p0 $0x0;
	s0 =	sshll.u32 s0, $0x9  }
0x9a: {  	s17 =	sand.u32 $0x400, s17;
	s0 =	sshra.s32 s0, $0x2;
	s1 =	sshrl.u32 s1, $0x2  }
0x9b: {  	[sflag:s20] =	ssyncadd.s32 @!p0 $0xFFFFD800;
	s0 =	sadd.s32 s0, s17;
	s1 =	sadd.s32 $0x1000, s1  }
0x9c: {  	[tilespmem:s1], [sflag:$0x1] =	stream.indirect.gather [hbm4b:s2+s18], $0x80, s0, s18, $0xb8;
	[tilespmem:$0x1C800] =	vst v63  }
.LBB2_16:
0x9d: {  	s0 =	smulhi.u32 $0xAAAAAAAB, s26;
	_ =	sdelay $0x1  }
0x9e: {  	s0 =	sshrl.u32 s0, $0x1  }
0x9f: {  	s0 =	smul.u32 $0x3, s0;
	_ =	sdelay $0x1  }
0xa0: {  	s0 =	ssub.s32 s26, s0;
	s26 =	sadd.s32 $0x1, s26  }
0xa1: {  	s0 =	smul.u32 $0xA000, s0;
	p0 =	sne.s32 s26, $0x7D  }
.Ltmp11:
0xa2: {  	s1 =	sshll.u32 s28, $0x9;
	_ =	swait.ge [sflag:s23], $0x2800;
	(pc) =	sbr.rel @p0 .LBB2_8-.Ltmp11, $4  }
.Ltmp12:
0xa3: {  	s17 =	sshll.u32 s29, $0xA;
	s1 =	sshra.s32 s1, $0x2;
	(pc) =	sbr.rel @!p0 .LBB2_17-.Ltmp12, $4  }
0xa4: {  	[sflag:s23] =	ssyncset.done $0x0;
	s1 =	sadd.s32 s1, s17;
	s0 =	sshrl.u32 s0, $0x2  }
0xa5: {  	[sflag:s23] =	ssyncadd.s32 $0xFFFFD800;
	s1 =	sadd.s32 $0x800, s1;
	s0 =	sadd.s32 $0x1000, s0  }
0xa6: {  	[spmem:s3] =	stream.indirect.scatter.add.f32 [tilespmem:s0], [sflag:$0x2], $0x80, s1, s18, $0xb8;
	[tilespmem:$0x1C800] =	vst v63  }
0xa7: {  	_ = 	snop  }
.LBB2_14:
0xa8: {  	p0 =	sgt.u32 s26, $0x7A  }
.Ltmp13:
0xa9: {  	_ = 	snop;
	(pc) =	sbr.rel @p0 .LBB2_16-.Ltmp13, $4  }
.Ltmp14:
0xaa: {  	_ = 	snop;
	(pc) =	sbr.rel @!p0 .LBB2_15-.Ltmp14, $4  }
0xab: {  	_ = 	snop  }
0xac: {  	_ = 	snop  }
0xad: {  	_ = 	snop  }
0xae: {  	_ = 	snop  }
.LBB2_18:
0xaf: {  	_ =	sfence.sel $0x180000  }
0xb0: {  	[bflag:$0x0] =	sbarrier.arrive $0xFFFF  }
0xb1: {  	_ =	strace $0x9000004A  }
0xb2: {  	s0 =	stileid.u32;
	[bflag:$0x2] =	sbarrier.arrive $0xFFFF  }
0xb3: {  	p0 =	sne.s32 s0, $0x0;
	s0 =	rddreg [dreg:$0x3]  }
0xb4: {  	s0 =	sadd.s32 @!p0 $0x100000, s0  }
0xb5: {  	[sflag:s0] =	ssyncadd.tile.s32 @!p0 $0x1;
	_ =	shalt  }
.Lfunc_end2:
_tile_overlayer_lowered:
.L_overlay_start_2:
0xb6: {  	(tag) =	ssettag $0x2  }
0xb7: {  	s0 =	rddreg [dreg:$0x0];
	s2 =	stileid.u32  }
0xb8: {  	s1 =	rddreg [dreg:$0x1];
	p0 =	sne.s32 s2, $0x0  }
0xb9: {  	s3 =	rddreg [dreg:$0x2];
	[bflag:$0x3] =	sbarrier.arrive $0xFFFF;
	s2 =	simm.s32 @!p0 $0x1C04  }
0xba: {  	[timem:s3], [sflag:s2] =	dma.local @!p0 [hbm:s0], s1  }
0xbb: {  	s0 =	simm.s32 @!p0 $0x4  }
0xbc: {  	_ =	swait.ge @!p0 [sflag:s0], s1  }
0xbd: {  	s1 =	ssub.s32 @!p0 $0x0, s1;
	[sflag:s0] =	ssyncset.done @!p0 $0x0  }
0xbe: {  	[sflag:s0] =	ssyncadd.s32 @!p0 s1  }
0xbf: {  	[bflag:$0x3] =	sbarrier.arrive $0xFFFF  }
0xc0: {  	_ =	shalt  }

</sc_bundles>
